<compile_context>
chip_gen: v7x
topology: tpu7x:2x2x1
jax: 0.10.2.dev20260603
libtpu: 0.0.44.dev20260713+nightly
codegen_flags: <defaults>
</compile_context>

<pallas_src>
import functools

import jax
import jax.numpy as jnp
from jax import lax
from jax.experimental import pallas as pl
from jax.experimental.pallas import tpu as pltpu
from jax.experimental.pallas import tpu_sc as plsc

_BATCH = 16384
_EMBED = 16
_HOUR_VOCAB = 24
_PHONE_VOCAB = 100000
_NC = 2
_NS = 16
_NW = _NC * _NS
_B_PER_W = _BATCH // _NW
_G = 16


@jax.jit
def _context_embedding_sc(hour_idx, phone_idx, hour_table, pt_wide):
    mesh = plsc.VectorSubcoreMesh(core_axis_name="c", subcore_axis_name="s")

    @functools.partial(
        pl.kernel,
        mesh=mesh,
        out_type=jax.ShapeDtypeStruct((_BATCH, 2 * _EMBED), jnp.float32),
        scratch_types=[
            pltpu.VMEM((_HOUR_VOCAB, _EMBED), jnp.float32),
            pltpu.VMEM((_B_PER_W,), jnp.int32),
            pltpu.VMEM((_B_PER_W,), jnp.int32),
            pltpu.VMEM((_B_PER_W,), jnp.int32),
            pltpu.VMEM((_B_PER_W, 128), jnp.float32),
            pltpu.VMEM((_B_PER_W // 2, 2 * _EMBED), jnp.float32),
            pltpu.SemaphoreType.DMA,
        ],
    )
    def k(hi_hbm, pi_hbm, ht_hbm, pt_hbm, out_hbm,
          ht_v, hi_v, pi_v, psup_v, prows_v, cat_v, sem):
        wid = lax.axis_index("s") * _NC + lax.axis_index("c")
        base = wid * _B_PER_W
        pltpu.sync_copy(hi_hbm.at[pl.ds(base, _B_PER_W)], hi_v)
        pltpu.sync_copy(pi_hbm.at[pl.ds(base, _B_PER_W)], pi_v)
        pltpu.sync_copy(ht_hbm, ht_v)

        @pl.loop(0, _B_PER_W // _G)
        def _(g):
            psup_v.at[pl.ds(g * _G, _G)][...] = (
                pi_v[pl.ds(g * _G, _G)] >> 3)

        gp = pltpu.async_copy(pt_hbm.at[psup_v], prows_v, sem)
        gp.wait()

        half = _B_PER_W // 2
        for s in range(2):
            @pl.loop(0, half // _G)
            def _(g):
                hvec = hi_v[pl.ds(s * half + g * _G, _G)]
                pvec = (pi_v[pl.ds(s * half + g * _G, _G)] & 7) * _EMBED
                for j in range(_G):
                    i = g * _G + j
                    cat_v.at[i, pl.ds(0, _EMBED)][...] = (
                        ht_v.at[hvec[j], pl.ds(0, _EMBED)][...])
                    cat_v.at[i, pl.ds(_EMBED, _EMBED)][...] = (
                        prows_v.at[s * half + i, pl.ds(pvec[j], _EMBED)][...])

            pltpu.sync_copy(cat_v, out_hbm.at[pl.ds(base + s * half, half)])

    return k(hour_idx, phone_idx, hour_table, pt_wide)


def kernel(hour_idx, phone_idx, hour_table, phone_table):
    return _context_embedding_sc(
        hour_idx.astype(jnp.int32),
        phone_idx.astype(jnp.int32),
        hour_table,
        phone_table.reshape(_PHONE_VOCAB // 8, 128),
    )

# --- scband reference (transcript-rebuilt; emitter-appended) ---
"""Pipeline reference for scband-context-embedding-14431090115278 (READ-ONLY COPY).

The authoritative reference and input builder live on the scoring server;
editing this copy changes nothing except your own understanding.
"""

import jax, jax.numpy as jnp
import numpy as np

HOUR_VOCAB = 24
PHONE_VOCAB = 100000
EMBED_DIM = 16
BATCH = 16384

def setup_inputs(seed: int = 0) -> dict:
    key = jax.random.key(seed)
    k1, k2, k3, k4 = jax.random.split(key, 4)
    hour_idx = jax.random.randint(k1, (BATCH,), 0, HOUR_VOCAB, dtype=jnp.int64 if jax.config.jax_enable_x64 else jnp.int32)
    phone_idx = jax.random.randint(k2, (BATCH,), 0, PHONE_VOCAB, dtype=jnp.int64 if jax.config.jax_enable_x64 else jnp.int32)
    hour_table = jax.random.normal(k3, (HOUR_VOCAB, EMBED_DIM), dtype=jnp.float32) * 0.05
    phone_table = jax.random.normal(k4, (PHONE_VOCAB, EMBED_DIM), dtype=jnp.float32) * 0.05
    return {"hour_idx": hour_idx, "phone_idx": phone_idx, "hour_table": hour_table, "phone_table": phone_table}

def reference(hour_idx, phone_idx, hour_table, phone_table):
    # DenseFeatures with embedding columns -> table gather per feature
    hour_emb = jnp.take(hour_table, hour_idx, axis=0)
    phone_emb = jnp.take(phone_table, phone_idx, axis=0)
    context_rep = jnp.concatenate([hour_emb, phone_emb], axis=-1)
    # dropout with training=False is identity
    return context_rep

if __name__ == "__main__":
    import jax
    _d = setup_inputs()
    print(jax.jit(kernel)(*tuple(_d.values())))

</pallas_src>

<mosaic_0001>
#map = affine_map<(d0, d1) -> (0)>
#map1 = affine_map<(d0, d1) -> (0, 0)>
module attributes {stable_mosaic.version = 14 : i64} {
  func.func @k(%arg0: i32, %arg1: i32, %arg2: memref<16384xi32, #tpu.memory_space<hbm>>, %arg3: memref<16384xi32, #tpu.memory_space<hbm>>, %arg4: memref<24x16xf32, #tpu.memory_space<hbm>>, %arg5: memref<12500x128xf32, #tpu.memory_space<hbm>>, %arg6: memref<16384x32xf32, #tpu.memory_space<hbm>>, %arg7: memref<24x16xf32, #tpu.memory_space<vmem>>, %arg8: memref<512xi32, #tpu.memory_space<vmem>>, %arg9: memref<512xi32, #tpu.memory_space<vmem>>, %arg10: memref<512xi32, #tpu.memory_space<vmem>>, %arg11: memref<512x128xf32, #tpu.memory_space<vmem>>, %arg12: memref<256x32xf32, #tpu.memory_space<vmem>>, %arg13: memref<!tpu.dma_semaphore, #tpu.memory_space<semaphore_mem>>) attributes {dimension_semantics = [#tpu.dimension_semantics<core_parallel>, #tpu.dimension_semantics<subcore_parallel>], iteration_bounds = array<i64: 2, 16>, scalar_prefetch = 0 : i64, scratch_operands = 7 : i64, tpu.core_type = #tpu.core_type<sc_vector_subcore>, window_params = [{transform_indices = #map}, {transform_indices = #map}, {transform_indices = #map1}, {transform_indices = #map1}, {transform_indices = #map1}]} {
    %mul3A = arith.constant 2 : i32
    %mul3A_0 = arith.muli %arg1, %mul3A : i32
    %add3A = arith.addi %mul3A_0, %arg0 : i32
    %mul3A_1 = arith.constant 512 : i32
    %mul3A_2 = arith.muli %add3A, %mul3A_1 : i32
    "tpu.region"() ({
      %run_scoped3A = tpu.sem_alloc : memref<!tpu.dma_semaphore, #tpu.memory_space<semaphore_mem>>
      %dma_start3A_25 = tpu.memref_slice %arg2[%mul3A_2] : memref<16384xi32, #tpu.memory_space<hbm>> -> memref<512xi32, #tpu.memory_space<hbm>>
      %dma_start3A_26 = tpu.memref_slice %arg2[%mul3A_2] : memref<16384xi32, #tpu.memory_space<hbm>> -> memref<512xi32, #tpu.memory_space<hbm>>
      tpu.enqueue_dma source(%dma_start3A_26 : memref<512xi32, #tpu.memory_space<hbm>>) target(%arg8 : memref<512xi32, #tpu.memory_space<vmem>>) target_semaphore(%run_scoped3A : memref<!tpu.dma_semaphore, #tpu.memory_space<semaphore_mem>>)
      %dma_wait3A_27 = tpu.memref_slice %arg2[%mul3A_2] : memref<16384xi32, #tpu.memory_space<hbm>> -> memref<512xi32, #tpu.memory_space<hbm>>
      %dma_wait3A_28 = tpu.memref_slice %arg2[%mul3A_2] : memref<16384xi32, #tpu.memory_space<hbm>> -> memref<512xi32, #tpu.memory_space<hbm>>
      tpu.wait_dma2 semaphore(%run_scoped3A : memref<!tpu.dma_semaphore, #tpu.memory_space<semaphore_mem>>) src(%dma_wait3A_28 : memref<512xi32, #tpu.memory_space<hbm>>) dst(%arg8 : memref<512xi32, #tpu.memory_space<vmem>>)
      tpu.yield
    }) : () -> ()
    "tpu.region"() ({
      %run_scoped3A = tpu.sem_alloc : memref<!tpu.dma_semaphore, #tpu.memory_space<semaphore_mem>>
      %dma_start3A_25 = tpu.memref_slice %arg3[%mul3A_2] : memref<16384xi32, #tpu.memory_space<hbm>> -> memref<512xi32, #tpu.memory_space<hbm>>
      %dma_start3A_26 = tpu.memref_slice %arg3[%mul3A_2] : memref<16384xi32, #tpu.memory_space<hbm>> -> memref<512xi32, #tpu.memory_space<hbm>>
      tpu.enqueue_dma source(%dma_start3A_26 : memref<512xi32, #tpu.memory_space<hbm>>) target(%arg9 : memref<512xi32, #tpu.memory_space<vmem>>) target_semaphore(%run_scoped3A : memref<!tpu.dma_semaphore, #tpu.memory_space<semaphore_mem>>)
      %dma_wait3A_27 = tpu.memref_slice %arg3[%mul3A_2] : memref<16384xi32, #tpu.memory_space<hbm>> -> memref<512xi32, #tpu.memory_space<hbm>>
      %dma_wait3A_28 = tpu.memref_slice %arg3[%mul3A_2] : memref<16384xi32, #tpu.memory_space<hbm>> -> memref<512xi32, #tpu.memory_space<hbm>>
      tpu.wait_dma2 semaphore(%run_scoped3A : memref<!tpu.dma_semaphore, #tpu.memory_space<semaphore_mem>>) src(%dma_wait3A_28 : memref<512xi32, #tpu.memory_space<hbm>>) dst(%arg9 : memref<512xi32, #tpu.memory_space<vmem>>)
      tpu.yield
    }) : () -> ()
    "tpu.region"() ({
      %run_scoped3A = tpu.sem_alloc : memref<!tpu.dma_semaphore, #tpu.memory_space<semaphore_mem>>
      tpu.enqueue_dma source(%arg4 : memref<24x16xf32, #tpu.memory_space<hbm>>) target(%arg7 : memref<24x16xf32, #tpu.memory_space<vmem>>) target_semaphore(%run_scoped3A : memref<!tpu.dma_semaphore, #tpu.memory_space<semaphore_mem>>)
      tpu.wait_dma2 semaphore(%run_scoped3A : memref<!tpu.dma_semaphore, #tpu.memory_space<semaphore_mem>>) src(%arg4 : memref<24x16xf32, #tpu.memory_space<hbm>>) dst(%arg7 : memref<24x16xf32, #tpu.memory_space<vmem>>)
      tpu.yield
    }) : () -> ()
    %scan3A = arith.constant 0 : i32
    %scan3A_3 = arith.constant 32 : i32
    %scan3A_4 = arith.addi %scan3A, %scan3A_3 : i32
    %scan3A_5 = arith.constant 1 : i32
    scf.for %scan3A_25 = %scan3A to %scan3A_4 step %scan3A_5  : i32 {
      %mul3A_26 = arith.constant 1 : i32
      %mul3A_27 = arith.muli %scan3A_25, %mul3A_26 : i32
      %add3A_28 = arith.constant 0 : i32
      %add3A_29 = arith.addi %add3A_28, %mul3A_27 : i32
      %mul3A_30 = arith.constant 16 : i32
      %mul3A_31 = arith.muli %add3A_29, %mul3A_30 : i32
      %get3A = arith.index_cast %mul3A_31 : i32 to index
      %get3A_32 = tpu.vector_load %arg9[%get3A] {strides = array<i32>} : memref<512xi32, #tpu.memory_space<vmem>>, vector<16xi32>,
      %get3A_33 = vector.shape_cast %get3A_32 : vector<16xi32> to vector<16xi32>
      %shift_right_arithmetic3A = arith.constant 3 : i32
      %shift_right_arithmetic3A_34 = vector.broadcast %shift_right_arithmetic3A : i32 to vector<16xi32>
      %shift_right_arithmetic3A_35 = arith.shrsi %get3A_33, %shift_right_arithmetic3A_34 : vector<16xi32>
      %mul3A_36 = arith.constant 16 : i32
      %mul3A_37 = arith.muli %add3A_29, %mul3A_36 : i32
      %swap3A = arith.index_cast %mul3A_37 : i32 to index
      %swap3A_38 = tpu.vector_load %arg10[%swap3A] {strides = array<i32>} : memref<512xi32, #tpu.memory_space<vmem>>, vector<16xi32>,
      %swap3A_39 = vector.shape_cast %swap3A_38 : vector<16xi32> to vector<16xi32>
      %swap3A_40 = vector.shape_cast %shift_right_arithmetic3A_35 : vector<16xi32> to vector<16xi32>
      tpu.vector_store %arg10[%swap3A], %swap3A_40 {strides = array<i32>} : memref<512xi32, #tpu.memory_space<vmem>>, vector<16xi32>,
    }
    %scan3A_6 = arith.constant 32 : i32
    %dma_start3A = arith.constant 0 : i32
    %dma_start3A_7 = arith.constant 0 : i32
    %dma_start3A_8 = tpu.memref_slice %arg5[%dma_start3A, %dma_start3A_7] : memref<12500x128xf32, #tpu.memory_space<hbm>> -> memref<12500x128xf32, #tpu.memory_space<hbm>>
    tpu.enqueue_indirect_dma source(%dma_start3A_8 : memref<12500x128xf32, #tpu.memory_space<hbm>>) target(%arg11 : memref<512x128xf32, #tpu.memory_space<vmem>>) offsets(%arg10 : memref<512xi32, #tpu.memory_space<vmem>>) semaphore(%arg13 : memref<!tpu.dma_semaphore, #tpu.memory_space<semaphore_mem>>)
    %dma_wait3A = arith.constant 0 : i32
    %dma_wait3A_9 = arith.constant 0 : i32
    %dma_wait3A_10 = tpu.memref_slice %arg5[%dma_wait3A, %dma_wait3A_9] : memref<12500x128xf32, #tpu.memory_space<hbm>> -> memref<12500x128xf32, #tpu.memory_space<hbm>>
    tpu.wait_indirect_dma semaphore(%arg13 : memref<!tpu.dma_semaphore, #tpu.memory_space<semaphore_mem>>) src(%dma_wait3A_10 : memref<12500x128xf32, #tpu.memory_space<hbm>>) dst(%arg11 : memref<512x128xf32, #tpu.memory_space<vmem>>)
    %scan3A_11 = arith.constant 0 : i32
    %scan3A_12 = arith.constant 16 : i32
    %scan3A_13 = arith.addi %scan3A_11, %scan3A_12 : i32
    %scan3A_14 = arith.constant 1 : i32
    scf.for %scan3A_25 = %scan3A_11 to %scan3A_13 step %scan3A_14  : i32 {
      %mul3A_26 = arith.constant 1 : i32
      %mul3A_27 = arith.muli %scan3A_25, %mul3A_26 : i32
      %add3A_28 = arith.constant 0 : i32
      %add3A_29 = arith.addi %add3A_28, %mul3A_27 : i32
      %mul3A_30 = arith.constant 16 : i32
      %mul3A_31 = arith.muli %add3A_29, %mul3A_30 : i32
      %add3A_32 = arith.constant 0 : i32
      %add3A_33 = arith.addi %add3A_32, %mul3A_31 : i32
      %get3A = arith.index_cast %add3A_33 : i32 to index
      %get3A_34 = tpu.vector_load %arg8[%get3A] {strides = array<i32>} : memref<512xi32, #tpu.memory_space<vmem>>, vector<16xi32>,
      %get3A_35 = vector.shape_cast %get3A_34 : vector<16xi32> to vector<16xi32>
      %mul3A_36 = arith.constant 16 : i32
      %mul3A_37 = arith.muli %add3A_29, %mul3A_36 : i32
      %add3A_38 = arith.constant 0 : i32
      %add3A_39 = arith.addi %add3A_38, %mul3A_37 : i32
      %get3A_40 = arith.index_cast %add3A_39 : i32 to index
      %get3A_41 = tpu.vector_load %arg9[%get3A_40] {strides = array<i32>} : memref<512xi32, #tpu.memory_space<vmem>>, vector<16xi32>,
      %get3A_42 = vector.shape_cast %get3A_41 : vector<16xi32> to vector<16xi32>
      %and3A = arith.constant 7 : i32
      %and3A_43 = vector.broadcast %and3A : i32 to vector<16xi32>
      %and3A_44 = arith.andi %get3A_42, %and3A_43 : vector<16xi32>
      %mul3A_45 = arith.constant 16 : i32
      %mul3A_46 = vector.broadcast %mul3A_45 : i32 to vector<16xi32>
      %mul3A_47 = arith.muli %and3A_44, %mul3A_46 : vector<16xi32>
      %mul3A_48 = arith.constant 16 : i32
      %mul3A_49 = arith.muli %add3A_29, %mul3A_48 : i32
      %add3A_50 = arith.constant 0 : i32
      %add3A_51 = arith.addi %mul3A_49, %add3A_50 : i32
      %slice3A = vector.extract_strided_slice %get3A_35 {offsets = [0], sizes = [1], strides = [1]} : vector<16xi32> to vector<1xi32>
      %squeeze3A = vector.extract %slice3A[0] : i32 from vector<1xi32>
      %get3A_52 = arith.index_cast %squeeze3A : i32 to index
      %get3A_53 = arith.constant 0 : index
      %get3A_54 = tpu.vector_load %arg7[%get3A_52, %get3A_53] {strides = array<i32>} : memref<24x16xf32, #tpu.memory_space<vmem>>, vector<1x16xf32>,
      %get3A_55 = vector.shape_cast %get3A_54 : vector<1x16xf32> to vector<16xf32>
      %swap3A = arith.index_cast %add3A_51 : i32 to index
      %swap3A_56 = arith.constant 0 : index
      %swap3A_57 = tpu.vector_load %arg12[%swap3A, %swap3A_56] {strides = array<i32>} : memref<256x32xf32, #tpu.memory_space<vmem>>, vector<1x16xf32>,
      %swap3A_58 = vector.shape_cast %swap3A_57 : vector<1x16xf32> to vector<16xf32>
      %swap3A_59 = vector.shape_cast %get3A_55 : vector<16xf32> to vector<1x16xf32>
      tpu.vector_store %arg12[%swap3A, %swap3A_56], %swap3A_59 {strides = array<i32>} : memref<256x32xf32, #tpu.memory_space<vmem>>, vector<1x16xf32>,
      %add3A_60 = arith.constant 0 : i32
      %add3A_61 = arith.addi %add3A_60, %add3A_51 : i32
      %slice3A_62 = vector.extract_strided_slice %mul3A_47 {offsets = [0], sizes = [1], strides = [1]} : vector<16xi32> to vector<1xi32>
      %squeeze3A_63 = vector.extract %slice3A_62[0] : i32 from vector<1xi32>
      %get3A_64 = arith.index_cast %add3A_61 : i32 to index
      %get3A_65 = arith.index_cast %squeeze3A_63 : i32 to index
      %get3A_66 = tpu.vector_load %arg11[%get3A_64, %get3A_65] {strides = array<i32>} : memref<512x128xf32, #tpu.memory_space<vmem>>, vector<1x16xf32>,
      %get3A_67 = vector.shape_cast %get3A_66 : vector<1x16xf32> to vector<16xf32>
      %swap3A_68 = arith.index_cast %add3A_51 : i32 to index
      %swap3A_69 = arith.constant 16 : index
      %swap3A_70 = tpu.vector_load %arg12[%swap3A_68, %swap3A_69] {strides = array<i32>} : memref<256x32xf32, #tpu.memory_space<vmem>>, vector<1x16xf32>,
      %swap3A_71 = vector.shape_cast %swap3A_70 : vector<1x16xf32> to vector<16xf32>
      %swap3A_72 = vector.shape_cast %get3A_67 : vector<16xf32> to vector<1x16xf32>
      tpu.vector_store %arg12[%swap3A_68, %swap3A_69], %swap3A_72 {strides = array<i32>} : memref<256x32xf32, #tpu.memory_space<vmem>>, vector<1x16xf32>,
      %mul3A_73 = arith.constant 16 : i32
      %mul3A_74 = arith.muli %add3A_29, %mul3A_73 : i32
      %add3A_75 = arith.constant 1 : i32
      %add3A_76 = arith.addi %mul3A_74, %add3A_75 : i32
      %slice3A_77 = vector.extract_strided_slice %get3A_35 {offsets = [1], sizes = [1], strides = [1]} : vector<16xi32> to vector<1xi32>
      %squeeze3A_78 = vector.extract %slice3A_77[0] : i32 from vector<1xi32>
      %get3A_79 = arith.index_cast %squeeze3A_78 : i32 to index
      %get3A_80 = arith.constant 0 : index
      %get3A_81 = tpu.vector_load %arg7[%get3A_79, %get3A_80] {strides = array<i32>} : memref<24x16xf32, #tpu.memory_space<vmem>>, vector<1x16xf32>,
      %get3A_82 = vector.shape_cast %get3A_81 : vector<1x16xf32> to vector<16xf32>
      %swap3A_83 = arith.index_cast %add3A_76 : i32 to index
      %swap3A_84 = arith.constant 0 : index
      %swap3A_85 = tpu.vector_load %arg12[%swap3A_83, %swap3A_84] {strides = array<i32>} : memref<256x32xf32, #tpu.memory_space<vmem>>, vector<1x16xf32>,
      %swap3A_86 = vector.shape_cast %swap3A_85 : vector<1x16xf32> to vector<16xf32>
      %swap3A_87 = vector.shape_cast %get3A_82 : vector<16xf32> to vector<1x16xf32>
      tpu.vector_store %arg12[%swap3A_83, %swap3A_84], %swap3A_87 {strides = array<i32>} : memref<256x32xf32, #tpu.memory_space<vmem>>, vector<1x16xf32>,
      %add3A_88 = arith.constant 0 : i32
      %add3A_89 = arith.addi %add3A_88, %add3A_76 : i32
      %slice3A_90 = vector.extract_strided_slice %mul3A_47 {offsets = [1], sizes = [1], strides = [1]} : vector<16xi32> to vector<1xi32>
      %squeeze3A_91 = vector.extract %slice3A_90[0] : i32 from vector<1xi32>
      %get3A_92 = arith.index_cast %add3A_89 : i32 to index
      %get3A_93 = arith.index_cast %squeeze3A_91 : i32 to index
      %get3A_94 = tpu.vector_load %arg11[%get3A_92, %get3A_93] {strides = array<i32>} : memref<512x128xf32, #tpu.memory_space<vmem>>, vector<1x16xf32>,
      %get3A_95 = vector.shape_cast %get3A_94 : vector<1x16xf32> to vector<16xf32>
      %swap3A_96 = arith.index_cast %add3A_76 : i32 to index
      %swap3A_97 = arith.constant 16 : index
      %swap3A_98 = tpu.vector_load %arg12[%swap3A_96, %swap3A_97] {strides = array<i32>} : memref<256x32xf32, #tpu.memory_space<vmem>>, vector<1x16xf32>,
      %swap3A_99 = vector.shape_cast %swap3A_98 : vector<1x16xf32> to vector<16xf32>
      %swap3A_100 = vector.shape_cast %get3A_95 : vector<16xf32> to vector<1x16xf32>
      tpu.vector_store %arg12[%swap3A_96, %swap3A_97], %swap3A_100 {strides = array<i32>} : memref<256x32xf32, #tpu.memory_space<vmem>>, vector<1x16xf32>,
      %mul3A_101 = arith.constant 16 : i32
      %mul3A_102 = arith.muli %add3A_29, %mul3A_101 : i32
      %add3A_103 = arith.constant 2 : i32
      %add3A_104 = arith.addi %mul3A_102, %add3A_103 : i32
      %slice3A_105 = vector.extract_strided_slice %get3A_35 {offsets = [2], sizes = [1], strides = [1]} : vector<16xi32> to vector<1xi32>
      %squeeze3A_106 = vector.extract %slice3A_105[0] : i32 from vector<1xi32>
      %get3A_107 = arith.index_cast %squeeze3A_106 : i32 to index
      %get3A_108 = arith.constant 0 : index
      %get3A_109 = tpu.vector_load %arg7[%get3A_107, %get3A_108] {strides = array<i32>} : memref<24x16xf32, #tpu.memory_space<vmem>>, vector<1x16xf32>,
      %get3A_110 = vector.shape_cast %get3A_109 : vector<1x16xf32> to vector<16xf32>
      %swap3A_111 = arith.index_cast %add3A_104 : i32 to index
      %swap3A_112 = arith.constant 0 : index
      %swap3A_113 = tpu.vector_load %arg12[%swap3A_111, %swap3A_112] {strides = array<i32>} : memref<256x32xf32, #tpu.memory_space<vmem>>, vector<1x16xf32>,
      %swap3A_114 = vector.shape_cast %swap3A_113 : vector<1x16xf32> to vector<16xf32>
      %swap3A_115 = vector.shape_cast %get3A_110 : vector<16xf32> to vector<1x16xf32>
      tpu.vector_store %arg12[%swap3A_111, %swap3A_112], %swap3A_115 {strides = array<i32>} : memref<256x32xf32, #tpu.memory_space<vmem>>, vector<1x16xf32>,
      %add3A_116 = arith.constant 0 : i32
      %add3A_117 = arith.addi %add3A_116, %add3A_104 : i32
      %slice3A_118 = vector.extract_strided_slice %mul3A_47 {offsets = [2], sizes = [1], strides = [1]} : vector<16xi32> to vector<1xi32>
      %squeeze3A_119 = vector.extract %slice3A_118[0] : i32 from vector<1xi32>
      %get3A_120 = arith.index_cast %add3A_117 : i32 to index
      %get3A_121 = arith.index_cast %squeeze3A_119 : i32 to index
      %get3A_122 = tpu.vector_load %arg11[%get3A_120, %get3A_121] {strides = array<i32>} : memref<512x128xf32, #tpu.memory_space<vmem>>, vector<1x16xf32>,
      %get3A_123 = vector.shape_cast %get3A_122 : vector<1x16xf32> to vector<16xf32>
      %swap3A_124 = arith.index_cast %add3A_104 : i32 to index
      %swap3A_125 = arith.constant 16 : index
      %swap3A_126 = tpu.vector_load %arg12[%swap3A_124, %swap3A_125] {strides = array<i32>} : memref<256x32xf32, #tpu.memory_space<vmem>>, vector<1x16xf32>,
      %swap3A_127 = vector.shape_cast %swap3A_126 : vector<1x16xf32> to vector<16xf32>
      %swap3A_128 = vector.shape_cast %get3A_123 : vector<16xf32> to vector<1x16xf32>
      tpu.vector_store %arg12[%swap3A_124, %swap3A_125], %swap3A_128 {strides = array<i32>} : memref<256x32xf32, #tpu.memory_space<vmem>>, vector<1x16xf32>,
      %mul3A_129 = arith.constant 16 : i32
      %mul3A_130 = arith.muli %add3A_29, %mul3A_129 : i32
      %add3A_131 = arith.constant 3 : i32
      %add3A_132 = arith.addi %mul3A_130, %add3A_131 : i32
      %slice3A_133 = vector.extract_strided_slice %get3A_35 {offsets = [3], sizes = [1], strides = [1]} : vector<16xi32> to vector<1xi32>
      %squeeze3A_134 = vector.extract %slice3A_133[0] : i32 from vector<1xi32>
      %get3A_135 = arith.index_cast %squeeze3A_134 : i32 to index
      %get3A_136 = arith.constant 0 : index
      %get3A_137 = tpu.vector_load %arg7[%get3A_135, %get3A_136] {strides = array<i32>} : memref<24x16xf32, #tpu.memory_space<vmem>>, vector<1x16xf32>,
      %get3A_138 = vector.shape_cast %get3A_137 : vector<1x16xf32> to vector<16xf32>
      %swap3A_139 = arith.index_cast %add3A_132 : i32 to index
      %swap3A_140 = arith.constant 0 : index
      %swap3A_141 = tpu.vector_load %arg12[%swap3A_139, %swap3A_140] {strides = array<i32>} : memref<256x32xf32, #tpu.memory_space<vmem>>, vector<1x16xf32>,
      %swap3A_142 = vector.shape_cast %swap3A_141 : vector<1x16xf32> to vector<16xf32>
      %swap3A_143 = vector.shape_cast %get3A_138 : vector<16xf32> to vector<1x16xf32>
      tpu.vector_store %arg12[%swap3A_139, %swap3A_140], %swap3A_143 {strides = array<i32>} : memref<256x32xf32, #tpu.memory_space<vmem>>, vector<1x16xf32>,
      %add3A_144 = arith.constant 0 : i32
      %add3A_145 = arith.addi %add3A_144, %add3A_132 : i32
      %slice3A_146 = vector.extract_strided_slice %mul3A_47 {offsets = [3], sizes = [1], strides = [1]} : vector<16xi32> to vector<1xi32>
      %squeeze3A_147 = vector.extract %slice3A_146[0] : i32 from vector<1xi32>
      %get3A_148 = arith.index_cast %add3A_145 : i32 to index
      %get3A_149 = arith.index_cast %squeeze3A_147 : i32 to index
      %get3A_150 = tpu.vector_load %arg11[%get3A_148, %get3A_149] {strides = array<i32>} : memref<512x128xf32, #tpu.memory_space<vmem>>, vector<1x16xf32>,
      %get3A_151 = vector.shape_cast %get3A_150 : vector<1x16xf32> to vector<16xf32>
      %swap3A_152 = arith.index_cast %add3A_132 : i32 to index
      %swap3A_153 = arith.constant 16 : index
      %swap3A_154 = tpu.vector_load %arg12[%swap3A_152, %swap3A_153] {strides = array<i32>} : memref<256x32xf32, #tpu.memory_space<vmem>>, vector<1x16xf32>,
      %swap3A_155 = vector.shape_cast %swap3A_154 : vector<1x16xf32> to vector<16xf32>
      %swap3A_156 = vector.shape_cast %get3A_151 : vector<16xf32> to vector<1x16xf32>
      tpu.vector_store %arg12[%swap3A_152, %swap3A_153], %swap3A_156 {strides = array<i32>} : memref<256x32xf32, #tpu.memory_space<vmem>>, vector<1x16xf32>,
      %mul3A_157 = arith.constant 16 : i32
      %mul3A_158 = arith.muli %add3A_29, %mul3A_157 : i32
      %add3A_159 = arith.constant 4 : i32
      %add3A_160 = arith.addi %mul3A_158, %add3A_159 : i32
      %slice3A_161 = vector.extract_strided_slice %get3A_35 {offsets = [4], sizes = [1], strides = [1]} : vector<16xi32> to vector<1xi32>
      %squeeze3A_162 = vector.extract %slice3A_161[0] : i32 from vector<1xi32>
      %get3A_163 = arith.index_cast %squeeze3A_162 : i32 to index
      %get3A_164 = arith.constant 0 : index
      %get3A_165 = tpu.vector_load %arg7[%get3A_163, %get3A_164] {strides = array<i32>} : memref<24x16xf32, #tpu.memory_space<vmem>>, vector<1x16xf32>,
      %get3A_166 = vector.shape_cast %get3A_165 : vector<1x16xf32> to vector<16xf32>
      %swap3A_167 = arith.index_cast %add3A_160 : i32 to index
      %swap3A_168 = arith.constant 0 : index
      %swap3A_169 = tpu.vector_load %arg12[%swap3A_167, %swap3A_168] {strides = array<i32>} : memref<256x32xf32, #tpu.memory_space<vmem>>, vector<1x16xf32>,
      %swap3A_170 = vector.shape_cast %swap3A_169 : vector<1x16xf32> to vector<16xf32>
      %swap3A_171 = vector.shape_cast %get3A_166 : vector<16xf32> to vector<1x16xf32>
      tpu.vector_store %arg12[%swap3A_167, %swap3A_168], %swap3A_171 {strides = array<i32>} : memref<256x32xf32, #tpu.memory_space<vmem>>, vector<1x16xf32>,
      %add3A_172 = arith.constant 0 : i32
      %add3A_173 = arith.addi %add3A_172, %add3A_160 : i32
      %slice3A_174 = vector.extract_strided_slice %mul3A_47 {offsets = [4], sizes = [1], strides = [1]} : vector<16xi32> to vector<1xi32>
      %squeeze3A_175 = vector.extract %slice3A_174[0] : i32 from vector<1xi32>
      %get3A_176 = arith.index_cast %add3A_173 : i32 to index
      %get3A_177 = arith.index_cast %squeeze3A_175 : i32 to index
      %get3A_178 = tpu.vector_load %arg11[%get3A_176, %get3A_177] {strides = array<i32>} : memref<512x128xf32, #tpu.memory_space<vmem>>, vector<1x16xf32>,
      %get3A_179 = vector.shape_cast %get3A_178 : vector<1x16xf32> to vector<16xf32>
      %swap3A_180 = arith.index_cast %add3A_160 : i32 to index
      %swap3A_181 = arith.constant 16 : index
      %swap3A_182 = tpu.vector_load %arg12[%swap3A_180, %swap3A_181] {strides = array<i32>} : memref<256x32xf32, #tpu.memory_space<vmem>>, vector<1x16xf32>,
      %swap3A_183 = vector.shape_cast %swap3A_182 : vector<1x16xf32> to vector<16xf32>
      %swap3A_184 = vector.shape_cast %get3A_179 : vector<16xf32> to vector<1x16xf32>
      tpu.vector_store %arg12[%swap3A_180, %swap3A_181], %swap3A_184 {strides = array<i32>} : memref<256x32xf32, #tpu.memory_space<vmem>>, vector<1x16xf32>,
      %mul3A_185 = arith.constant 16 : i32
      %mul3A_186 = arith.muli %add3A_29, %mul3A_185 : i32
      %add3A_187 = arith.constant 5 : i32
      %add3A_188 = arith.addi %mul3A_186, %add3A_187 : i32
      %slice3A_189 = vector.extract_strided_slice %get3A_35 {offsets = [5], sizes = [1], strides = [1]} : vector<16xi32> to vector<1xi32>
      %squeeze3A_190 = vector.extract %slice3A_189[0] : i32 from vector<1xi32>
      %get3A_191 = arith.index_cast %squeeze3A_190 : i32 to index
      %get3A_192 = arith.constant 0 : index
      %get3A_193 = tpu.vector_load %arg7[%get3A_191, %get3A_192] {strides = array<i32>} : memref<24x16xf32, #tpu.memory_space<vmem>>, vector<1x16xf32>,
      %get3A_194 = vector.shape_cast %get3A_193 : vector<1x16xf32> to vector<16xf32>
      %swap3A_195 = arith.index_cast %add3A_188 : i32 to index
      %swap3A_196 = arith.constant 0 : index
      %swap3A_197 = tpu.vector_load %arg12[%swap3A_195, %swap3A_196] {strides = array<i32>} : memref<256x32xf32, #tpu.memory_space<vmem>>, vector<1x16xf32>,
      %swap3A_198 = vector.shape_cast %swap3A_197 : vector<1x16xf32> to vector<16xf32>
      %swap3A_199 = vector.shape_cast %get3A_194 : vector<16xf32> to vector<1x16xf32>
      tpu.vector_store %arg12[%swap3A_195, %swap3A_196], %swap3A_199 {strides = array<i32>} : memref<256x32xf32, #tpu.memory_space<vmem>>, vector<1x16xf32>,
      %add3A_200 = arith.constant 0 : i32
      %add3A_201 = arith.addi %add3A_200, %add3A_188 : i32
      %slice3A_202 = vector.extract_strided_slice %mul3A_47 {offsets = [5], sizes = [1], strides = [1]} : vector<16xi32> to vector<1xi32>
      %squeeze3A_203 = vector.extract %slice3A_202[0] : i32 from vector<1xi32>
      %get3A_204 = arith.index_cast %add3A_201 : i32 to index
      %get3A_205 = arith.index_cast %squeeze3A_203 : i32 to index
      %get3A_206 = tpu.vector_load %arg11[%get3A_204, %get3A_205] {strides = array<i32>} : memref<512x128xf32, #tpu.memory_space<vmem>>, vector<1x16xf32>,
      %get3A_207 = vector.shape_cast %get3A_206 : vector<1x16xf32> to vector<16xf32>
      %swap3A_208 = arith.index_cast %add3A_188 : i32 to index
      %swap3A_209 = arith.constant 16 : index
      %swap3A_210 = tpu.vector_load %arg12[%swap3A_208, %swap3A_209] {strides = array<i32>} : memref<256x32xf32, #tpu.memory_space<vmem>>, vector<1x16xf32>,
      %swap3A_211 = vector.shape_cast %swap3A_210 : vector<1x16xf32> to vector<16xf32>
      %swap3A_212 = vector.shape_cast %get3A_207 : vector<16xf32> to vector<1x16xf32>
      tpu.vector_store %arg12[%swap3A_208, %swap3A_209], %swap3A_212 {strides = array<i32>} : memref<256x32xf32, #tpu.memory_space<vmem>>, vector<1x16xf32>,
      %mul3A_213 = arith.constant 16 : i32
      %mul3A_214 = arith.muli %add3A_29, %mul3A_213 : i32
      %add3A_215 = arith.constant 6 : i32
      %add3A_216 = arith.addi %mul3A_214, %add3A_215 : i32
      %slice3A_217 = vector.extract_strided_slice %get3A_35 {offsets = [6], sizes = [1], strides = [1]} : vector<16xi32> to vector<1xi32>
      %squeeze3A_218 = vector.extract %slice3A_217[0] : i32 from vector<1xi32>
      %get3A_219 = arith.index_cast %squeeze3A_218 : i32 to index
      %get3A_220 = arith.constant 0 : index
      %get3A_221 = tpu.vector_load %arg7[%get3A_219, %get3A_220] {strides = array<i32>} : memref<24x16xf32, #tpu.memory_space<vmem>>, vector<1x16xf32>,
      %get3A_222 = vector.shape_cast %get3A_221 : vector<1x16xf32> to vector<16xf32>
      %swap3A_223 = arith.index_cast %add3A_216 : i32 to index
      %swap3A_224 = arith.constant 0 : index
      %swap3A_225 = tpu.vector_load %arg12[%swap3A_223, %swap3A_224] {strides = array<i32>} : memref<256x32xf32, #tpu.memory_space<vmem>>, vector<1x16xf32>,
      %swap3A_226 = vector.shape_cast %swap3A_225 : vector<1x16xf32> to vector<16xf32>
      %swap3A_227 = vector.shape_cast %get3A_222 : vector<16xf32> to vector<1x16xf32>
      tpu.vector_store %arg12[%swap3A_223, %swap3A_224], %swap3A_227 {strides = array<i32>} : memref<256x32xf32, #tpu.memory_space<vmem>>, vector<1x16xf32>,
      %add3A_228 = arith.constant 0 : i32
      %add3A_229 = arith.addi %add3A_228, %add3A_216 : i32
      %slice3A_230 = vector.extract_strided_slice %mul3A_47 {offsets = [6], sizes = [1], strides = [1]} : vector<16xi32> to vector<1xi32>
      %squeeze3A_231 = vector.extract %slice3A_230[0] : i32 from vector<1xi32>
      %get3A_232 = arith.index_cast %add3A_229 : i32 to index
      %get3A_233 = arith.index_cast %squeeze3A_231 : i32 to index
      %get3A_234 = tpu.vector_load %arg11[%get3A_232, %get3A_233] {strides = array<i32>} : memref<512x128xf32, #tpu.memory_space<vmem>>, vector<1x16xf32>,
      %get3A_235 = vector.shape_cast %get3A_234 : vector<1x16xf32> to vector<16xf32>
      %swap3A_236 = arith.index_cast %add3A_216 : i32 to index
      %swap3A_237 = arith.constant 16 : index
      %swap3A_238 = tpu.vector_load %arg12[%swap3A_236, %swap3A_237] {strides = array<i32>} : memref<256x32xf32, #tpu.memory_space<vmem>>, vector<1x16xf32>,
      %swap3A_239 = vector.shape_cast %swap3A_238 : vector<1x16xf32> to vector<16xf32>
      %swap3A_240 = vector.shape_cast %get3A_235 : vector<16xf32> to vector<1x16xf32>
      tpu.vector_store %arg12[%swap3A_236, %swap3A_237], %swap3A_240 {strides = array<i32>} : memref<256x32xf32, #tpu.memory_space<vmem>>, vector<1x16xf32>,
      %mul3A_241 = arith.constant 16 : i32
      %mul3A_242 = arith.muli %add3A_29, %mul3A_241 : i32
      %add3A_243 = arith.constant 7 : i32
      %add3A_244 = arith.addi %mul3A_242, %add3A_243 : i32
      %slice3A_245 = vector.extract_strided_slice %get3A_35 {offsets = [7], sizes = [1], strides = [1]} : vector<16xi32> to vector<1xi32>
      %squeeze3A_246 = vector.extract %slice3A_245[0] : i32 from vector<1xi32>
      %get3A_247 = arith.index_cast %squeeze3A_246 : i32 to index
      %get3A_248 = arith.constant 0 : index
      %get3A_249 = tpu.vector_load %arg7[%get3A_247, %get3A_248] {strides = array<i32>} : memref<24x16xf32, #tpu.memory_space<vmem>>, vector<1x16xf32>,
      %get3A_250 = vector.shape_cast %get3A_249 : vector<1x16xf32> to vector<16xf32>
      %swap3A_251 = arith.index_cast %add3A_244 : i32 to index
      %swap3A_252 = arith.constant 0 : index
      %swap3A_253 = tpu.vector_load %arg12[%swap3A_251, %swap3A_252] {strides = array<i32>} : memref<256x32xf32, #tpu.memory_space<vmem>>, vector<1x16xf32>,
      %swap3A_254 = vector.shape_cast %swap3A_253 : vector<1x16xf32> to vector<16xf32>
      %swap3A_255 = vector.shape_cast %get3A_250 : vector<16xf32> to vector<1x16xf32>
      tpu.vector_store %arg12[%swap3A_251, %swap3A_252], %swap3A_255 {strides = array<i32>} : memref<256x32xf32, #tpu.memory_space<vmem>>, vector<1x16xf32>,
      %add3A_256 = arith.constant 0 : i32
      %add3A_257 = arith.addi %add3A_256, %add3A_244 : i32
      %slice3A_258 = vector.extract_strided_slice %mul3A_47 {offsets = [7], sizes = [1], strides = [1]} : vector<16xi32> to vector<1xi32>
      %squeeze3A_259 = vector.extract %slice3A_258[0] : i32 from vector<1xi32>
      %get3A_260 = arith.index_cast %add3A_257 : i32 to index
      %get3A_261 = arith.index_cast %squeeze3A_259 : i32 to index
      %get3A_262 = tpu.vector_load %arg11[%get3A_260, %get3A_261] {strides = array<i32>} : memref<512x128xf32, #tpu.memory_space<vmem>>, vector<1x16xf32>,
      %get3A_263 = vector.shape_cast %get3A_262 : vector<1x16xf32> to vector<16xf32>
      %swap3A_264 = arith.index_cast %add3A_244 : i32 to index
      %swap3A_265 = arith.constant 16 : index
      %swap3A_266 = tpu.vector_load %arg12[%swap3A_264, %swap3A_265] {strides = array<i32>} : memref<256x32xf32, #tpu.memory_space<vmem>>, vector<1x16xf32>,
      %swap3A_267 = vector.shape_cast %swap3A_266 : vector<1x16xf32> to vector<16xf32>
      %swap3A_268 = vector.shape_cast %get3A_263 : vector<16xf32> to vector<1x16xf32>
      tpu.vector_store %arg12[%swap3A_264, %swap3A_265], %swap3A_268 {strides = array<i32>} : memref<256x32xf32, #tpu.memory_space<vmem>>, vector<1x16xf32>,
      %mul3A_269 = arith.constant 16 : i32
      %mul3A_270 = arith.muli %add3A_29, %mul3A_269 : i32
      %add3A_271 = arith.constant 8 : i32
      %add3A_272 = arith.addi %mul3A_270, %add3A_271 : i32
      %slice3A_273 = vector.extract_strided_slice %get3A_35 {offsets = [8], sizes = [1], strides = [1]} : vector<16xi32> to vector<1xi32>
      %squeeze3A_274 = vector.extract %slice3A_273[0] : i32 from vector<1xi32>
      %get3A_275 = arith.index_cast %squeeze3A_274 : i32 to index
      %get3A_276 = arith.constant 0 : index
      %get3A_277 = tpu.vector_load %arg7[%get3A_275, %get3A_276] {strides = array<i32>} : memref<24x16xf32, #tpu.memory_space<vmem>>, vector<1x16xf32>,
      %get3A_278 = vector.shape_cast %get3A_277 : vector<1x16xf32> to vector<16xf32>
      %swap3A_279 = arith.index_cast %add3A_272 : i32 to index
      %swap3A_280 = arith.constant 0 : index
      %swap3A_281 = tpu.vector_load %arg12[%swap3A_279, %swap3A_280] {strides = array<i32>} : memref<256x32xf32, #tpu.memory_space<vmem>>, vector<1x16xf32>,
      %swap3A_282 = vector.shape_cast %swap3A_281 : vector<1x16xf32> to vector<16xf32>
      %swap3A_283 = vector.shape_cast %get3A_278 : vector<16xf32> to vector<1x16xf32>
      tpu.vector_store %arg12[%swap3A_279, %swap3A_280], %swap3A_283 {strides = array<i32>} : memref<256x32xf32, #tpu.memory_space<vmem>>, vector<1x16xf32>,
      %add3A_284 = arith.constant 0 : i32
      %add3A_285 = arith.addi %add3A_284, %add3A_272 : i32
      %slice3A_286 = vector.extract_strided_slice %mul3A_47 {offsets = [8], sizes = [1], strides = [1]} : vector<16xi32> to vector<1xi32>
      %squeeze3A_287 = vector.extract %slice3A_286[0] : i32 from vector<1xi32>
      %get3A_288 = arith.index_cast %add3A_285 : i32 to index
      %get3A_289 = arith.index_cast %squeeze3A_287 : i32 to index
      %get3A_290 = tpu.vector_load %arg11[%get3A_288, %get3A_289] {strides = array<i32>} : memref<512x128xf32, #tpu.memory_space<vmem>>, vector<1x16xf32>,
      %get3A_291 = vector.shape_cast %get3A_290 : vector<1x16xf32> to vector<16xf32>
      %swap3A_292 = arith.index_cast %add3A_272 : i32 to index
      %swap3A_293 = arith.constant 16 : index
      %swap3A_294 = tpu.vector_load %arg12[%swap3A_292, %swap3A_293] {strides = array<i32>} : memref<256x32xf32, #tpu.memory_space<vmem>>, vector<1x16xf32>,
      %swap3A_295 = vector.shape_cast %swap3A_294 : vector<1x16xf32> to vector<16xf32>
      %swap3A_296 = vector.shape_cast %get3A_291 : vector<16xf32> to vector<1x16xf32>
      tpu.vector_store %arg12[%swap3A_292, %swap3A_293], %swap3A_296 {strides = array<i32>} : memref<256x32xf32, #tpu.memory_space<vmem>>, vector<1x16xf32>,
      %mul3A_297 = arith.constant 16 : i32
      %mul3A_298 = arith.muli %add3A_29, %mul3A_297 : i32
      %add3A_299 = arith.constant 9 : i32
      %add3A_300 = arith.addi %mul3A_298, %add3A_299 : i32
      %slice3A_301 = vector.extract_strided_slice %get3A_35 {offsets = [9], sizes = [1], strides = [1]} : vector<16xi32> to vector<1xi32>
      %squeeze3A_302 = vector.extract %slice3A_301[0] : i32 from vector<1xi32>
      %get3A_303 = arith.index_cast %squeeze3A_302 : i32 to index
      %get3A_304 = arith.constant 0 : index
      %get3A_305 = tpu.vector_load %arg7[%get3A_303, %get3A_304] {strides = array<i32>} : memref<24x16xf32, #tpu.memory_space<vmem>>, vector<1x16xf32>,
      %get3A_306 = vector.shape_cast %get3A_305 : vector<1x16xf32> to vector<16xf32>
      %swap3A_307 = arith.index_cast %add3A_300 : i32 to index
      %swap3A_308 = arith.constant 0 : index
      %swap3A_309 = tpu.vector_load %arg12[%swap3A_307, %swap3A_308] {strides = array<i32>} : memref<256x32xf32, #tpu.memory_space<vmem>>, vector<1x16xf32>,
      %swap3A_310 = vector.shape_cast %swap3A_309 : vector<1x16xf32> to vector<16xf32>
      %swap3A_311 = vector.shape_cast %get3A_306 : vector<16xf32> to vector<1x16xf32>
      tpu.vector_store %arg12[%swap3A_307, %swap3A_308], %swap3A_311 {strides = array<i32>} : memref<256x32xf32, #tpu.memory_space<vmem>>, vector<1x16xf32>,
      %add3A_312 = arith.constant 0 : i32
      %add3A_313 = arith.addi %add3A_312, %add3A_300 : i32
      %slice3A_314 = vector.extract_strided_slice %mul3A_47 {offsets = [9], sizes = [1], strides = [1]} : vector<16xi32> to vector<1xi32>
      %squeeze3A_315 = vector.extract %slice3A_314[0] : i32 from vector<1xi32>
      %get3A_316 = arith.index_cast %add3A_313 : i32 to index
      %get3A_317 = arith.index_cast %squeeze3A_315 : i32 to index
      %get3A_318 = tpu.vector_load %arg11[%get3A_316, %get3A_317] {strides = array<i32>} : memref<512x128xf32, #tpu.memory_space<vmem>>, vector<1x16xf32>,
      %get3A_319 = vector.shape_cast %get3A_318 : vector<1x16xf32> to vector<16xf32>
      %swap3A_320 = arith.index_cast %add3A_300 : i32 to index
      %swap3A_321 = arith.constant 16 : index
      %swap3A_322 = tpu.vector_load %arg12[%swap3A_320, %swap3A_321] {strides = array<i32>} : memref<256x32xf32, #tpu.memory_space<vmem>>, vector<1x16xf32>,
      %swap3A_323 = vector.shape_cast %swap3A_322 : vector<1x16xf32> to vector<16xf32>
      %swap3A_324 = vector.shape_cast %get3A_319 : vector<16xf32> to vector<1x16xf32>
      tpu.vector_store %arg12[%swap3A_320, %swap3A_321], %swap3A_324 {strides = array<i32>} : memref<256x32xf32, #tpu.memory_space<vmem>>, vector<1x16xf32>,
      %mul3A_325 = arith.constant 16 : i32
      %mul3A_326 = arith.muli %add3A_29, %mul3A_325 : i32
      %add3A_327 = arith.constant 10 : i32
      %add3A_328 = arith.addi %mul3A_326, %add3A_327 : i32
      %slice3A_329 = vector.extract_strided_slice %get3A_35 {offsets = [10], sizes = [1], strides = [1]} : vector<16xi32> to vector<1xi32>
      %squeeze3A_330 = vector.extract %slice3A_329[0] : i32 from vector<1xi32>
      %get3A_331 = arith.index_cast %squeeze3A_330 : i32 to index
      %get3A_332 = arith.constant 0 : index
      %get3A_333 = tpu.vector_load %arg7[%get3A_331, %get3A_332] {strides = array<i32>} : memref<24x16xf32, #tpu.memory_space<vmem>>, vector<1x16xf32>,
      %get3A_334 = vector.shape_cast %get3A_333 : vector<1x16xf32> to vector<16xf32>
      %swap3A_335 = arith.index_cast %add3A_328 : i32 to index
      %swap3A_336 = arith.constant 0 : index
      %swap3A_337 = tpu.vector_load %arg12[%swap3A_335, %swap3A_336] {strides = array<i32>} : memref<256x32xf32, #tpu.memory_space<vmem>>, vector<1x16xf32>,
      %swap3A_338 = vector.shape_cast %swap3A_337 : vector<1x16xf32> to vector<16xf32>
      %swap3A_339 = vector.shape_cast %get3A_334 : vector<16xf32> to vector<1x16xf32>
      tpu.vector_store %arg12[%swap3A_335, %swap3A_336], %swap3A_339 {strides = array<i32>} : memref<256x32xf32, #tpu.memory_space<vmem>>, vector<1x16xf32>,
      %add3A_340 = arith.constant 0 : i32
      %add3A_341 = arith.addi %add3A_340, %add3A_328 : i32
      %slice3A_342 = vector.extract_strided_slice %mul3A_47 {offsets = [10], sizes = [1], strides = [1]} : vector<16xi32> to vector<1xi32>
      %squeeze3A_343 = vector.extract %slice3A_342[0] : i32 from vector<1xi32>
      %get3A_344 = arith.index_cast %add3A_341 : i32 to index
      %get3A_345 = arith.index_cast %squeeze3A_343 : i32 to index
      %get3A_346 = tpu.vector_load %arg11[%get3A_344, %get3A_345] {strides = array<i32>} : memref<512x128xf32, #tpu.memory_space<vmem>>, vector<1x16xf32>,
      %get3A_347 = vector.shape_cast %get3A_346 : vector<1x16xf32> to vector<16xf32>
      %swap3A_348 = arith.index_cast %add3A_328 : i32 to index
      %swap3A_349 = arith.constant 16 : index
      %swap3A_350 = tpu.vector_load %arg12[%swap3A_348, %swap3A_349] {strides = array<i32>} : memref<256x32xf32, #tpu.memory_space<vmem>>, vector<1x16xf32>,
      %swap3A_351 = vector.shape_cast %swap3A_350 : vector<1x16xf32> to vector<16xf32>
      %swap3A_352 = vector.shape_cast %get3A_347 : vector<16xf32> to vector<1x16xf32>
      tpu.vector_store %arg12[%swap3A_348, %swap3A_349], %swap3A_352 {strides = array<i32>} : memref<256x32xf32, #tpu.memory_space<vmem>>, vector<1x16xf32>,
      %mul3A_353 = arith.constant 16 : i32
      %mul3A_354 = arith.muli %add3A_29, %mul3A_353 : i32
      %add3A_355 = arith.constant 11 : i32
      %add3A_356 = arith.addi %mul3A_354, %add3A_355 : i32
      %slice3A_357 = vector.extract_strided_slice %get3A_35 {offsets = [11], sizes = [1], strides = [1]} : vector<16xi32> to vector<1xi32>
      %squeeze3A_358 = vector.extract %slice3A_357[0] : i32 from vector<1xi32>
      %get3A_359 = arith.index_cast %squeeze3A_358 : i32 to index
      %get3A_360 = arith.constant 0 : index
      %get3A_361 = tpu.vector_load %arg7[%get3A_359, %get3A_360] {strides = array<i32>} : memref<24x16xf32, #tpu.memory_space<vmem>>, vector<1x16xf32>,
      %get3A_362 = vector.shape_cast %get3A_361 : vector<1x16xf32> to vector<16xf32>
      %swap3A_363 = arith.index_cast %add3A_356 : i32 to index
      %swap3A_364 = arith.constant 0 : index
      %swap3A_365 = tpu.vector_load %arg12[%swap3A_363, %swap3A_364] {strides = array<i32>} : memref<256x32xf32, #tpu.memory_space<vmem>>, vector<1x16xf32>,
      %swap3A_366 = vector.shape_cast %swap3A_365 : vector<1x16xf32> to vector<16xf32>
      %swap3A_367 = vector.shape_cast %get3A_362 : vector<16xf32> to vector<1x16xf32>
      tpu.vector_store %arg12[%swap3A_363, %swap3A_364], %swap3A_367 {strides = array<i32>} : memref<256x32xf32, #tpu.memory_space<vmem>>, vector<1x16xf32>,
      %add3A_368 = arith.constant 0 : i32
      %add3A_369 = arith.addi %add3A_368, %add3A_356 : i32
      %slice3A_370 = vector.extract_strided_slice %mul3A_47 {offsets = [11], sizes = [1], strides = [1]} : vector<16xi32> to vector<1xi32>
      %squeeze3A_371 = vector.extract %slice3A_370[0] : i32 from vector<1xi32>
      %get3A_372 = arith.index_cast %add3A_369 : i32 to index
      %get3A_373 = arith.index_cast %squeeze3A_371 : i32 to index
      %get3A_374 = tpu.vector_load %arg11[%get3A_372, %get3A_373] {strides = array<i32>} : memref<512x128xf32, #tpu.memory_space<vmem>>, vector<1x16xf32>,
      %get3A_375 = vector.shape_cast %get3A_374 : vector<1x16xf32> to vector<16xf32>
      %swap3A_376 = arith.index_cast %add3A_356 : i32 to index
      %swap3A_377 = arith.constant 16 : index
      %swap3A_378 = tpu.vector_load %arg12[%swap3A_376, %swap3A_377] {strides = array<i32>} : memref<256x32xf32, #tpu.memory_space<vmem>>, vector<1x16xf32>,
      %swap3A_379 = vector.shape_cast %swap3A_378 : vector<1x16xf32> to vector<16xf32>
      %swap3A_380 = vector.shape_cast %get3A_375 : vector<16xf32> to vector<1x16xf32>
      tpu.vector_store %arg12[%swap3A_376, %swap3A_377], %swap3A_380 {strides = array<i32>} : memref<256x32xf32, #tpu.memory_space<vmem>>, vector<1x16xf32>,
      %mul3A_381 = arith.constant 16 : i32
      %mul3A_382 = arith.muli %add3A_29, %mul3A_381 : i32
      %add3A_383 = arith.constant 12 : i32
      %add3A_384 = arith.addi %mul3A_382, %add3A_383 : i32
      %slice3A_385 = vector.extract_strided_slice %get3A_35 {offsets = [12], sizes = [1], strides = [1]} : vector<16xi32> to vector<1xi32>
      %squeeze3A_386 = vector.extract %slice3A_385[0] : i32 from vector<1xi32>
      %get3A_387 = arith.index_cast %squeeze3A_386 : i32 to index
      %get3A_388 = arith.constant 0 : index
      %get3A_389 = tpu.vector_load %arg7[%get3A_387, %get3A_388] {strides = array<i32>} : memref<24x16xf32, #tpu.memory_space<vmem>>, vector<1x16xf32>,
      %get3A_390 = vector.shape_cast %get3A_389 : vector<1x16xf32> to vector<16xf32>
      %swap3A_391 = arith.index_cast %add3A_384 : i32 to index
      %swap3A_392 = arith.constant 0 : index
      %swap3A_393 = tpu.vector_load %arg12[%swap3A_391, %swap3A_392] {strides = array<i32>} : memref<256x32xf32, #tpu.memory_space<vmem>>, vector<1x16xf32>,
      %swap3A_394 = vector.shape_cast %swap3A_393 : vector<1x16xf32> to vector<16xf32>
      %swap3A_395 = vector.shape_cast %get3A_390 : vector<16xf32> to vector<1x16xf32>
      tpu.vector_store %arg12[%swap3A_391, %swap3A_392], %swap3A_395 {strides = array<i32>} : memref<256x32xf32, #tpu.memory_space<vmem>>, vector<1x16xf32>,
      %add3A_396 = arith.constant 0 : i32
      %add3A_397 = arith.addi %add3A_396, %add3A_384 : i32
      %slice3A_398 = vector.extract_strided_slice %mul3A_47 {offsets = [12], sizes = [1], strides = [1]} : vector<16xi32> to vector<1xi32>
      %squeeze3A_399 = vector.extract %slice3A_398[0] : i32 from vector<1xi32>
      %get3A_400 = arith.index_cast %add3A_397 : i32 to index
      %get3A_401 = arith.index_cast %squeeze3A_399 : i32 to index
      %get3A_402 = tpu.vector_load %arg11[%get3A_400, %get3A_401] {strides = array<i32>} : memref<512x128xf32, #tpu.memory_space<vmem>>, vector<1x16xf32>,
      %get3A_403 = vector.shape_cast %get3A_402 : vector<1x16xf32> to vector<16xf32>
      %swap3A_404 = arith.index_cast %add3A_384 : i32 to index
      %swap3A_405 = arith.constant 16 : index
      %swap3A_406 = tpu.vector_load %arg12[%swap3A_404, %swap3A_405] {strides = array<i32>} : memref<256x32xf32, #tpu.memory_space<vmem>>, vector<1x16xf32>,
      %swap3A_407 = vector.shape_cast %swap3A_406 : vector<1x16xf32> to vector<16xf32>
      %swap3A_408 = vector.shape_cast %get3A_403 : vector<16xf32> to vector<1x16xf32>
      tpu.vector_store %arg12[%swap3A_404, %swap3A_405], %swap3A_408 {strides = array<i32>} : memref<256x32xf32, #tpu.memory_space<vmem>>, vector<1x16xf32>,
      %mul3A_409 = arith.constant 16 : i32
      %mul3A_410 = arith.muli %add3A_29, %mul3A_409 : i32
      %add3A_411 = arith.constant 13 : i32
      %add3A_412 = arith.addi %mul3A_410, %add3A_411 : i32
      %slice3A_413 = vector.extract_strided_slice %get3A_35 {offsets = [13], sizes = [1], strides = [1]} : vector<16xi32> to vector<1xi32>
      %squeeze3A_414 = vector.extract %slice3A_413[0] : i32 from vector<1xi32>
      %get3A_415 = arith.index_cast %squeeze3A_414 : i32 to index
      %get3A_416 = arith.constant 0 : index
      %get3A_417 = tpu.vector_load %arg7[%get3A_415, %get3A_416] {strides = array<i32>} : memref<24x16xf32, #tpu.memory_space<vmem>>, vector<1x16xf32>,
      %get3A_418 = vector.shape_cast %get3A_417 : vector<1x16xf32> to vector<16xf32>
      %swap3A_419 = arith.index_cast %add3A_412 : i32 to index
      %swap3A_420 = arith.constant 0 : index
      %swap3A_421 = tpu.vector_load %arg12[%swap3A_419, %swap3A_420] {strides = array<i32>} : memref<256x32xf32, #tpu.memory_space<vmem>>, vector<1x16xf32>,
      %swap3A_422 = vector.shape_cast %swap3A_421 : vector<1x16xf32> to vector<16xf32>
      %swap3A_423 = vector.shape_cast %get3A_418 : vector<16xf32> to vector<1x16xf32>
      tpu.vector_store %arg12[%swap3A_419, %swap3A_420], %swap3A_423 {strides = array<i32>} : memref<256x32xf32, #tpu.memory_space<vmem>>, vector<1x16xf32>,
      %add3A_424 = arith.constant 0 : i32
      %add3A_425 = arith.addi %add3A_424, %add3A_412 : i32
      %slice3A_426 = vector.extract_strided_slice %mul3A_47 {offsets = [13], sizes = [1], strides = [1]} : vector<16xi32> to vector<1xi32>
      %squeeze3A_427 = vector.extract %slice3A_426[0] : i32 from vector<1xi32>
      %get3A_428 = arith.index_cast %add3A_425 : i32 to index
      %get3A_429 = arith.index_cast %squeeze3A_427 : i32 to index
      %get3A_430 = tpu.vector_load %arg11[%get3A_428, %get3A_429] {strides = array<i32>} : memref<512x128xf32, #tpu.memory_space<vmem>>, vector<1x16xf32>,
      %get3A_431 = vector.shape_cast %get3A_430 : vector<1x16xf32> to vector<16xf32>
      %swap3A_432 = arith.index_cast %add3A_412 : i32 to index
      %swap3A_433 = arith.constant 16 : index
      %swap3A_434 = tpu.vector_load %arg12[%swap3A_432, %swap3A_433] {strides = array<i32>} : memref<256x32xf32, #tpu.memory_space<vmem>>, vector<1x16xf32>,
      %swap3A_435 = vector.shape_cast %swap3A_434 : vector<1x16xf32> to vector<16xf32>
      %swap3A_436 = vector.shape_cast %get3A_431 : vector<16xf32> to vector<1x16xf32>
      tpu.vector_store %arg12[%swap3A_432, %swap3A_433], %swap3A_436 {strides = array<i32>} : memref<256x32xf32, #tpu.memory_space<vmem>>, vector<1x16xf32>,
      %mul3A_437 = arith.constant 16 : i32
      %mul3A_438 = arith.muli %add3A_29, %mul3A_437 : i32
      %add3A_439 = arith.constant 14 : i32
      %add3A_440 = arith.addi %mul3A_438, %add3A_439 : i32
      %slice3A_441 = vector.extract_strided_slice %get3A_35 {offsets = [14], sizes = [1], strides = [1]} : vector<16xi32> to vector<1xi32>
      %squeeze3A_442 = vector.extract %slice3A_441[0] : i32 from vector<1xi32>
      %get3A_443 = arith.index_cast %squeeze3A_442 : i32 to index
      %get3A_444 = arith.constant 0 : index
      %get3A_445 = tpu.vector_load %arg7[%get3A_443, %get3A_444] {strides = array<i32>} : memref<24x16xf32, #tpu.memory_space<vmem>>, vector<1x16xf32>,
      %get3A_446 = vector.shape_cast %get3A_445 : vector<1x16xf32> to vector<16xf32>
      %swap3A_447 = arith.index_cast %add3A_440 : i32 to index
      %swap3A_448 = arith.constant 0 : index
      %swap3A_449 = tpu.vector_load %arg12[%swap3A_447, %swap3A_448] {strides = array<i32>} : memref<256x32xf32, #tpu.memory_space<vmem>>, vector<1x16xf32>,
      %swap3A_450 = vector.shape_cast %swap3A_449 : vector<1x16xf32> to vector<16xf32>
      %swap3A_451 = vector.shape_cast %get3A_446 : vector<16xf32> to vector<1x16xf32>
      tpu.vector_store %arg12[%swap3A_447, %swap3A_448], %swap3A_451 {strides = array<i32>} : memref<256x32xf32, #tpu.memory_space<vmem>>, vector<1x16xf32>,
      %add3A_452 = arith.constant 0 : i32
      %add3A_453 = arith.addi %add3A_452, %add3A_440 : i32
      %slice3A_454 = vector.extract_strided_slice %mul3A_47 {offsets = [14], sizes = [1], strides = [1]} : vector<16xi32> to vector<1xi32>
      %squeeze3A_455 = vector.extract %slice3A_454[0] : i32 from vector<1xi32>
      %get3A_456 = arith.index_cast %add3A_453 : i32 to index
      %get3A_457 = arith.index_cast %squeeze3A_455 : i32 to index
      %get3A_458 = tpu.vector_load %arg11[%get3A_456, %get3A_457] {strides = array<i32>} : memref<512x128xf32, #tpu.memory_space<vmem>>, vector<1x16xf32>,
      %get3A_459 = vector.shape_cast %get3A_458 : vector<1x16xf32> to vector<16xf32>
      %swap3A_460 = arith.index_cast %add3A_440 : i32 to index
      %swap3A_461 = arith.constant 16 : index
      %swap3A_462 = tpu.vector_load %arg12[%swap3A_460, %swap3A_461] {strides = array<i32>} : memref<256x32xf32, #tpu.memory_space<vmem>>, vector<1x16xf32>,
      %swap3A_463 = vector.shape_cast %swap3A_462 : vector<1x16xf32> to vector<16xf32>
      %swap3A_464 = vector.shape_cast %get3A_459 : vector<16xf32> to vector<1x16xf32>
      tpu.vector_store %arg12[%swap3A_460, %swap3A_461], %swap3A_464 {strides = array<i32>} : memref<256x32xf32, #tpu.memory_space<vmem>>, vector<1x16xf32>,
      %mul3A_465 = arith.constant 16 : i32
      %mul3A_466 = arith.muli %add3A_29, %mul3A_465 : i32
      %add3A_467 = arith.constant 15 : i32
      %add3A_468 = arith.addi %mul3A_466, %add3A_467 : i32
      %slice3A_469 = vector.extract_strided_slice %get3A_35 {offsets = [15], sizes = [1], strides = [1]} : vector<16xi32> to vector<1xi32>
      %squeeze3A_470 = vector.extract %slice3A_469[0] : i32 from vector<1xi32>
      %get3A_471 = arith.index_cast %squeeze3A_470 : i32 to index
      %get3A_472 = arith.constant 0 : index
      %get3A_473 = tpu.vector_load %arg7[%get3A_471, %get3A_472] {strides = array<i32>} : memref<24x16xf32, #tpu.memory_space<vmem>>, vector<1x16xf32>,
      %get3A_474 = vector.shape_cast %get3A_473 : vector<1x16xf32> to vector<16xf32>
      %swap3A_475 = arith.index_cast %add3A_468 : i32 to index
      %swap3A_476 = arith.constant 0 : index
      %swap3A_477 = tpu.vector_load %arg12[%swap3A_475, %swap3A_476] {strides = array<i32>} : memref<256x32xf32, #tpu.memory_space<vmem>>, vector<1x16xf32>,
      %swap3A_478 = vector.shape_cast %swap3A_477 : vector<1x16xf32> to vector<16xf32>
      %swap3A_479 = vector.shape_cast %get3A_474 : vector<16xf32> to vector<1x16xf32>
      tpu.vector_store %arg12[%swap3A_475, %swap3A_476], %swap3A_479 {strides = array<i32>} : memref<256x32xf32, #tpu.memory_space<vmem>>, vector<1x16xf32>,
      %add3A_480 = arith.constant 0 : i32
      %add3A_481 = arith.addi %add3A_480, %add3A_468 : i32
      %slice3A_482 = vector.extract_strided_slice %mul3A_47 {offsets = [15], sizes = [1], strides = [1]} : vector<16xi32> to vector<1xi32>
      %squeeze3A_483 = vector.extract %slice3A_482[0] : i32 from vector<1xi32>
      %get3A_484 = arith.index_cast %add3A_481 : i32 to index
      %get3A_485 = arith.index_cast %squeeze3A_483 : i32 to index
      %get3A_486 = tpu.vector_load %arg11[%get3A_484, %get3A_485] {strides = array<i32>} : memref<512x128xf32, #tpu.memory_space<vmem>>, vector<1x16xf32>,
      %get3A_487 = vector.shape_cast %get3A_486 : vector<1x16xf32> to vector<16xf32>
      %swap3A_488 = arith.index_cast %add3A_468 : i32 to index
      %swap3A_489 = arith.constant 16 : index
      %swap3A_490 = tpu.vector_load %arg12[%swap3A_488, %swap3A_489] {strides = array<i32>} : memref<256x32xf32, #tpu.memory_space<vmem>>, vector<1x16xf32>,
      %swap3A_491 = vector.shape_cast %swap3A_490 : vector<1x16xf32> to vector<16xf32>
      %swap3A_492 = vector.shape_cast %get3A_487 : vector<16xf32> to vector<1x16xf32>
      tpu.vector_store %arg12[%swap3A_488, %swap3A_489], %swap3A_492 {strides = array<i32>} : memref<256x32xf32, #tpu.memory_space<vmem>>, vector<1x16xf32>,
    }
    %scan3A_15 = arith.constant 16 : i32
    %add3A_16 = arith.constant 0 : i32
    %add3A_17 = arith.addi %mul3A_2, %add3A_16 : i32
    "tpu.region"() ({
      %run_scoped3A = tpu.sem_alloc : memref<!tpu.dma_semaphore, #tpu.memory_space<semaphore_mem>>
      %dma_start3A_25 = arith.constant 0 : i32
      %dma_start3A_26 = tpu.memref_slice %arg6[%add3A_17, %dma_start3A_25] : memref<16384x32xf32, #tpu.memory_space<hbm>> -> memref<256x32xf32, #tpu.memory_space<hbm>>
      %dma_start3A_27 = arith.constant 0 : i32
      %dma_start3A_28 = tpu.memref_slice %arg6[%add3A_17, %dma_start3A_27] : memref<16384x32xf32, #tpu.memory_space<hbm>> -> memref<256x32xf32, #tpu.memory_space<hbm>>
      tpu.enqueue_dma source(%arg12 : memref<256x32xf32, #tpu.memory_space<vmem>>) target(%dma_start3A_28 : memref<256x32xf32, #tpu.memory_space<hbm>>) target_semaphore(%run_scoped3A : memref<!tpu.dma_semaphore, #tpu.memory_space<semaphore_mem>>)
      %dma_wait3A_29 = arith.constant 0 : i32
      %dma_wait3A_30 = tpu.memref_slice %arg6[%add3A_17, %dma_wait3A_29] : memref<16384x32xf32, #tpu.memory_space<hbm>> -> memref<256x32xf32, #tpu.memory_space<hbm>>
      %dma_wait3A_31 = arith.constant 0 : i32
      %dma_wait3A_32 = tpu.memref_slice %arg6[%add3A_17, %dma_wait3A_31] : memref<16384x32xf32, #tpu.memory_space<hbm>> -> memref<256x32xf32, #tpu.memory_space<hbm>>
      tpu.wait_dma2 semaphore(%run_scoped3A : memref<!tpu.dma_semaphore, #tpu.memory_space<semaphore_mem>>) src(%arg12 : memref<256x32xf32, #tpu.memory_space<vmem>>) dst(%dma_wait3A_32 : memref<256x32xf32, #tpu.memory_space<hbm>>)
      tpu.yield
    }) : () -> ()
    %scan3A_18 = arith.constant 0 : i32
    %scan3A_19 = arith.constant 16 : i32
    %scan3A_20 = arith.addi %scan3A_18, %scan3A_19 : i32
    %scan3A_21 = arith.constant 1 : i32
    scf.for %scan3A_25 = %scan3A_18 to %scan3A_20 step %scan3A_21  : i32 {
      %mul3A_26 = arith.constant 1 : i32
      %mul3A_27 = arith.muli %scan3A_25, %mul3A_26 : i32
      %add3A_28 = arith.constant 0 : i32
      %add3A_29 = arith.addi %add3A_28, %mul3A_27 : i32
      %mul3A_30 = arith.constant 16 : i32
      %mul3A_31 = arith.muli %add3A_29, %mul3A_30 : i32
      %add3A_32 = arith.constant 256 : i32
      %add3A_33 = arith.addi %add3A_32, %mul3A_31 : i32
      %get3A = arith.index_cast %add3A_33 : i32 to index
      %get3A_34 = tpu.vector_load %arg8[%get3A] {strides = array<i32>} : memref<512xi32, #tpu.memory_space<vmem>>, vector<16xi32>,
      %get3A_35 = vector.shape_cast %get3A_34 : vector<16xi32> to vector<16xi32>
      %mul3A_36 = arith.constant 16 : i32
      %mul3A_37 = arith.muli %add3A_29, %mul3A_36 : i32
      %add3A_38 = arith.constant 256 : i32
      %add3A_39 = arith.addi %add3A_38, %mul3A_37 : i32
      %get3A_40 = arith.index_cast %add3A_39 : i32 to index
      %get3A_41 = tpu.vector_load %arg9[%get3A_40] {strides = array<i32>} : memref<512xi32, #tpu.memory_space<vmem>>, vector<16xi32>,
      %get3A_42 = vector.shape_cast %get3A_41 : vector<16xi32> to vector<16xi32>
      %and3A = arith.constant 7 : i32
      %and3A_43 = vector.broadcast %and3A : i32 to vector<16xi32>
      %and3A_44 = arith.andi %get3A_42, %and3A_43 : vector<16xi32>
      %mul3A_45 = arith.constant 16 : i32
      %mul3A_46 = vector.broadcast %mul3A_45 : i32 to vector<16xi32>
      %mul3A_47 = arith.muli %and3A_44, %mul3A_46 : vector<16xi32>
      %mul3A_48 = arith.constant 16 : i32
      %mul3A_49 = arith.muli %add3A_29, %mul3A_48 : i32
      %add3A_50 = arith.constant 0 : i32
      %add3A_51 = arith.addi %mul3A_49, %add3A_50 : i32
      %slice3A = vector.extract_strided_slice %get3A_35 {offsets = [0], sizes = [1], strides = [1]} : vector<16xi32> to vector<1xi32>
      %squeeze3A = vector.extract %slice3A[0] : i32 from vector<1xi32>
      %get3A_52 = arith.index_cast %squeeze3A : i32 to index
      %get3A_53 = arith.constant 0 : index
      %get3A_54 = tpu.vector_load %arg7[%get3A_52, %get3A_53] {strides = array<i32>} : memref<24x16xf32, #tpu.memory_space<vmem>>, vector<1x16xf32>,
      %get3A_55 = vector.shape_cast %get3A_54 : vector<1x16xf32> to vector<16xf32>
      %swap3A = arith.index_cast %add3A_51 : i32 to index
      %swap3A_56 = arith.constant 0 : index
      %swap3A_57 = tpu.vector_load %arg12[%swap3A, %swap3A_56] {strides = array<i32>} : memref<256x32xf32, #tpu.memory_space<vmem>>, vector<1x16xf32>,
      %swap3A_58 = vector.shape_cast %swap3A_57 : vector<1x16xf32> to vector<16xf32>
      %swap3A_59 = vector.shape_cast %get3A_55 : vector<16xf32> to vector<1x16xf32>
      tpu.vector_store %arg12[%swap3A, %swap3A_56], %swap3A_59 {strides = array<i32>} : memref<256x32xf32, #tpu.memory_space<vmem>>, vector<1x16xf32>,
      %add3A_60 = arith.constant 256 : i32
      %add3A_61 = arith.addi %add3A_60, %add3A_51 : i32
      %slice3A_62 = vector.extract_strided_slice %mul3A_47 {offsets = [0], sizes = [1], strides = [1]} : vector<16xi32> to vector<1xi32>
      %squeeze3A_63 = vector.extract %slice3A_62[0] : i32 from vector<1xi32>
      %get3A_64 = arith.index_cast %add3A_61 : i32 to index
      %get3A_65 = arith.index_cast %squeeze3A_63 : i32 to index
      %get3A_66 = tpu.vector_load %arg11[%get3A_64, %get3A_65] {strides = array<i32>} : memref<512x128xf32, #tpu.memory_space<vmem>>, vector<1x16xf32>,
      %get3A_67 = vector.shape_cast %get3A_66 : vector<1x16xf32> to vector<16xf32>
      %swap3A_68 = arith.index_cast %add3A_51 : i32 to index
      %swap3A_69 = arith.constant 16 : index
      %swap3A_70 = tpu.vector_load %arg12[%swap3A_68, %swap3A_69] {strides = array<i32>} : memref<256x32xf32, #tpu.memory_space<vmem>>, vector<1x16xf32>,
      %swap3A_71 = vector.shape_cast %swap3A_70 : vector<1x16xf32> to vector<16xf32>
      %swap3A_72 = vector.shape_cast %get3A_67 : vector<16xf32> to vector<1x16xf32>
      tpu.vector_store %arg12[%swap3A_68, %swap3A_69], %swap3A_72 {strides = array<i32>} : memref<256x32xf32, #tpu.memory_space<vmem>>, vector<1x16xf32>,
      %mul3A_73 = arith.constant 16 : i32
      %mul3A_74 = arith.muli %add3A_29, %mul3A_73 : i32
      %add3A_75 = arith.constant 1 : i32
      %add3A_76 = arith.addi %mul3A_74, %add3A_75 : i32
      %slice3A_77 = vector.extract_strided_slice %get3A_35 {offsets = [1], sizes = [1], strides = [1]} : vector<16xi32> to vector<1xi32>
      %squeeze3A_78 = vector.extract %slice3A_77[0] : i32 from vector<1xi32>
      %get3A_79 = arith.index_cast %squeeze3A_78 : i32 to index
      %get3A_80 = arith.constant 0 : index
      %get3A_81 = tpu.vector_load %arg7[%get3A_79, %get3A_80] {strides = array<i32>} : memref<24x16xf32, #tpu.memory_space<vmem>>, vector<1x16xf32>,
      %get3A_82 = vector.shape_cast %get3A_81 : vector<1x16xf32> to vector<16xf32>
      %swap3A_83 = arith.index_cast %add3A_76 : i32 to index
      %swap3A_84 = arith.constant 0 : index
      %swap3A_85 = tpu.vector_load %arg12[%swap3A_83, %swap3A_84] {strides = array<i32>} : memref<256x32xf32, #tpu.memory_space<vmem>>, vector<1x16xf32>,
      %swap3A_86 = vector.shape_cast %swap3A_85 : vector<1x16xf32> to vector<16xf32>
      %swap3A_87 = vector.shape_cast %get3A_82 : vector<16xf32> to vector<1x16xf32>
      tpu.vector_store %arg12[%swap3A_83, %swap3A_84], %swap3A_87 {strides = array<i32>} : memref<256x32xf32, #tpu.memory_space<vmem>>, vector<1x16xf32>,
      %add3A_88 = arith.constant 256 : i32
      %add3A_89 = arith.addi %add3A_88, %add3A_76 : i32
      %slice3A_90 = vector.extract_strided_slice %mul3A_47 {offsets = [1], sizes = [1], strides = [1]} : vector<16xi32> to vector<1xi32>
      %squeeze3A_91 = vector.extract %slice3A_90[0] : i32 from vector<1xi32>
      %get3A_92 = arith.index_cast %add3A_89 : i32 to index
      %get3A_93 = arith.index_cast %squeeze3A_91 : i32 to index
      %get3A_94 = tpu.vector_load %arg11[%get3A_92, %get3A_93] {strides = array<i32>} : memref<512x128xf32, #tpu.memory_space<vmem>>, vector<1x16xf32>,
      %get3A_95 = vector.shape_cast %get3A_94 : vector<1x16xf32> to vector<16xf32>
      %swap3A_96 = arith.index_cast %add3A_76 : i32 to index
      %swap3A_97 = arith.constant 16 : index
      %swap3A_98 = tpu.vector_load %arg12[%swap3A_96, %swap3A_97] {strides = array<i32>} : memref<256x32xf32, #tpu.memory_space<vmem>>, vector<1x16xf32>,
      %swap3A_99 = vector.shape_cast %swap3A_98 : vector<1x16xf32> to vector<16xf32>
      %swap3A_100 = vector.shape_cast %get3A_95 : vector<16xf32> to vector<1x16xf32>
      tpu.vector_store %arg12[%swap3A_96, %swap3A_97], %swap3A_100 {strides = array<i32>} : memref<256x32xf32, #tpu.memory_space<vmem>>, vector<1x16xf32>,
      %mul3A_101 = arith.constant 16 : i32
      %mul3A_102 = arith.muli %add3A_29, %mul3A_101 : i32
      %add3A_103 = arith.constant 2 : i32
      %add3A_104 = arith.addi %mul3A_102, %add3A_103 : i32
      %slice3A_105 = vector.extract_strided_slice %get3A_35 {offsets = [2], sizes = [1], strides = [1]} : vector<16xi32> to vector<1xi32>
      %squeeze3A_106 = vector.extract %slice3A_105[0] : i32 from vector<1xi32>
      %get3A_107 = arith.index_cast %squeeze3A_106 : i32 to index
      %get3A_108 = arith.constant 0 : index
      %get3A_109 = tpu.vector_load %arg7[%get3A_107, %get3A_108] {strides = array<i32>} : memref<24x16xf32, #tpu.memory_space<vmem>>, vector<1x16xf32>,
      %get3A_110 = vector.shape_cast %get3A_109 : vector<1x16xf32> to vector<16xf32>
      %swap3A_111 = arith.index_cast %add3A_104 : i32 to index
      %swap3A_112 = arith.constant 0 : index
      %swap3A_113 = tpu.vector_load %arg12[%swap3A_111, %swap3A_112] {strides = array<i32>} : memref<256x32xf32, #tpu.memory_space<vmem>>, vector<1x16xf32>,
      %swap3A_114 = vector.shape_cast %swap3A_113 : vector<1x16xf32> to vector<16xf32>
      %swap3A_115 = vector.shape_cast %get3A_110 : vector<16xf32> to vector<1x16xf32>
      tpu.vector_store %arg12[%swap3A_111, %swap3A_112], %swap3A_115 {strides = array<i32>} : memref<256x32xf32, #tpu.memory_space<vmem>>, vector<1x16xf32>,
      %add3A_116 = arith.constant 256 : i32
      %add3A_117 = arith.addi %add3A_116, %add3A_104 : i32
      %slice3A_118 = vector.extract_strided_slice %mul3A_47 {offsets = [2], sizes = [1], strides = [1]} : vector<16xi32> to vector<1xi32>
      %squeeze3A_119 = vector.extract %slice3A_118[0] : i32 from vector<1xi32>
      %get3A_120 = arith.index_cast %add3A_117 : i32 to index
      %get3A_121 = arith.index_cast %squeeze3A_119 : i32 to index
      %get3A_122 = tpu.vector_load %arg11[%get3A_120, %get3A_121] {strides = array<i32>} : memref<512x128xf32, #tpu.memory_space<vmem>>, vector<1x16xf32>,
      %get3A_123 = vector.shape_cast %get3A_122 : vector<1x16xf32> to vector<16xf32>
      %swap3A_124 = arith.index_cast %add3A_104 : i32 to index
      %swap3A_125 = arith.constant 16 : index
      %swap3A_126 = tpu.vector_load %arg12[%swap3A_124, %swap3A_125] {strides = array<i32>} : memref<256x32xf32, #tpu.memory_space<vmem>>, vector<1x16xf32>,
      %swap3A_127 = vector.shape_cast %swap3A_126 : vector<1x16xf32> to vector<16xf32>
      %swap3A_128 = vector.shape_cast %get3A_123 : vector<16xf32> to vector<1x16xf32>
      tpu.vector_store %arg12[%swap3A_124, %swap3A_125], %swap3A_128 {strides = array<i32>} : memref<256x32xf32, #tpu.memory_space<vmem>>, vector<1x16xf32>,
      %mul3A_129 = arith.constant 16 : i32
      %mul3A_130 = arith.muli %add3A_29, %mul3A_129 : i32
      %add3A_131 = arith.constant 3 : i32
      %add3A_132 = arith.addi %mul3A_130, %add3A_131 : i32
      %slice3A_133 = vector.extract_strided_slice %get3A_35 {offsets = [3], sizes = [1], strides = [1]} : vector<16xi32> to vector<1xi32>
      %squeeze3A_134 = vector.extract %slice3A_133[0] : i32 from vector<1xi32>
      %get3A_135 = arith.index_cast %squeeze3A_134 : i32 to index
      %get3A_136 = arith.constant 0 : index
      %get3A_137 = tpu.vector_load %arg7[%get3A_135, %get3A_136] {strides = array<i32>} : memref<24x16xf32, #tpu.memory_space<vmem>>, vector<1x16xf32>,
      %get3A_138 = vector.shape_cast %get3A_137 : vector<1x16xf32> to vector<16xf32>
      %swap3A_139 = arith.index_cast %add3A_132 : i32 to index
      %swap3A_140 = arith.constant 0 : index
      %swap3A_141 = tpu.vector_load %arg12[%swap3A_139, %swap3A_140] {strides = array<i32>} : memref<256x32xf32, #tpu.memory_space<vmem>>, vector<1x16xf32>,
      %swap3A_142 = vector.shape_cast %swap3A_141 : vector<1x16xf32> to vector<16xf32>
      %swap3A_143 = vector.shape_cast %get3A_138 : vector<16xf32> to vector<1x16xf32>
      tpu.vector_store %arg12[%swap3A_139, %swap3A_140], %swap3A_143 {strides = array<i32>} : memref<256x32xf32, #tpu.memory_space<vmem>>, vector<1x16xf32>,
      %add3A_144 = arith.constant 256 : i32
      %add3A_145 = arith.addi %add3A_144, %add3A_132 : i32
      %slice3A_146 = vector.extract_strided_slice %mul3A_47 {offsets = [3], sizes = [1], strides = [1]} : vector<16xi32> to vector<1xi32>
      %squeeze3A_147 = vector.extract %slice3A_146[0] : i32 from vector<1xi32>
      %get3A_148 = arith.index_cast %add3A_145 : i32 to index
      %get3A_149 = arith.index_cast %squeeze3A_147 : i32 to index
      %get3A_150 = tpu.vector_load %arg11[%get3A_148, %get3A_149] {strides = array<i32>} : memref<512x128xf32, #tpu.memory_space<vmem>>, vector<1x16xf32>,
      %get3A_151 = vector.shape_cast %get3A_150 : vector<1x16xf32> to vector<16xf32>
      %swap3A_152 = arith.index_cast %add3A_132 : i32 to index
      %swap3A_153 = arith.constant 16 : index
      %swap3A_154 = tpu.vector_load %arg12[%swap3A_152, %swap3A_153] {strides = array<i32>} : memref<256x32xf32, #tpu.memory_space<vmem>>, vector<1x16xf32>,
      %swap3A_155 = vector.shape_cast %swap3A_154 : vector<1x16xf32> to vector<16xf32>
      %swap3A_156 = vector.shape_cast %get3A_151 : vector<16xf32> to vector<1x16xf32>
      tpu.vector_store %arg12[%swap3A_152, %swap3A_153], %swap3A_156 {strides = array<i32>} : memref<256x32xf32, #tpu.memory_space<vmem>>, vector<1x16xf32>,
      %mul3A_157 = arith.constant 16 : i32
      %mul3A_158 = arith.muli %add3A_29, %mul3A_157 : i32
      %add3A_159 = arith.constant 4 : i32
      %add3A_160 = arith.addi %mul3A_158, %add3A_159 : i32
      %slice3A_161 = vector.extract_strided_slice %get3A_35 {offsets = [4], sizes = [1], strides = [1]} : vector<16xi32> to vector<1xi32>
      %squeeze3A_162 = vector.extract %slice3A_161[0] : i32 from vector<1xi32>
      %get3A_163 = arith.index_cast %squeeze3A_162 : i32 to index
      %get3A_164 = arith.constant 0 : index
      %get3A_165 = tpu.vector_load %arg7[%get3A_163, %get3A_164] {strides = array<i32>} : memref<24x16xf32, #tpu.memory_space<vmem>>, vector<1x16xf32>,
      %get3A_166 = vector.shape_cast %get3A_165 : vector<1x16xf32> to vector<16xf32>
      %swap3A_167 = arith.index_cast %add3A_160 : i32 to index
      %swap3A_168 = arith.constant 0 : index
      %swap3A_169 = tpu.vector_load %arg12[%swap3A_167, %swap3A_168] {strides = array<i32>} : memref<256x32xf32, #tpu.memory_space<vmem>>, vector<1x16xf32>,
      %swap3A_170 = vector.shape_cast %swap3A_169 : vector<1x16xf32> to vector<16xf32>
      %swap3A_171 = vector.shape_cast %get3A_166 : vector<16xf32> to vector<1x16xf32>
      tpu.vector_store %arg12[%swap3A_167, %swap3A_168], %swap3A_171 {strides = array<i32>} : memref<256x32xf32, #tpu.memory_space<vmem>>, vector<1x16xf32>,
      %add3A_172 = arith.constant 256 : i32
      %add3A_173 = arith.addi %add3A_172, %add3A_160 : i32
      %slice3A_174 = vector.extract_strided_slice %mul3A_47 {offsets = [4], sizes = [1], strides = [1]} : vector<16xi32> to vector<1xi32>
      %squeeze3A_175 = vector.extract %slice3A_174[0] : i32 from vector<1xi32>
      %get3A_176 = arith.index_cast %add3A_173 : i32 to index
      %get3A_177 = arith.index_cast %squeeze3A_175 : i32 to index
      %get3A_178 = tpu.vector_load %arg11[%get3A_176, %get3A_177] {strides = array<i32>} : memref<512x128xf32, #tpu.memory_space<vmem>>, vector<1x16xf32>,
      %get3A_179 = vector.shape_cast %get3A_178 : vector<1x16xf32> to vector<16xf32>
      %swap3A_180 = arith.index_cast %add3A_160 : i32 to index
      %swap3A_181 = arith.constant 16 : index
      %swap3A_182 = tpu.vector_load %arg12[%swap3A_180, %swap3A_181] {strides = array<i32>} : memref<256x32xf32, #tpu.memory_space<vmem>>, vector<1x16xf32>,
      %swap3A_183 = vector.shape_cast %swap3A_182 : vector<1x16xf32> to vector<16xf32>
      %swap3A_184 = vector.shape_cast %get3A_179 : vector<16xf32> to vector<1x16xf32>
      tpu.vector_store %arg12[%swap3A_180, %swap3A_181], %swap3A_184 {strides = array<i32>} : memref<256x32xf32, #tpu.memory_space<vmem>>, vector<1x16xf32>,
      %mul3A_185 = arith.constant 16 : i32
      %mul3A_186 = arith.muli %add3A_29, %mul3A_185 : i32
      %add3A_187 = arith.constant 5 : i32
      %add3A_188 = arith.addi %mul3A_186, %add3A_187 : i32
      %slice3A_189 = vector.extract_strided_slice %get3A_35 {offsets = [5], sizes = [1], strides = [1]} : vector<16xi32> to vector<1xi32>
      %squeeze3A_190 = vector.extract %slice3A_189[0] : i32 from vector<1xi32>
      %get3A_191 = arith.index_cast %squeeze3A_190 : i32 to index
      %get3A_192 = arith.constant 0 : index
      %get3A_193 = tpu.vector_load %arg7[%get3A_191, %get3A_192] {strides = array<i32>} : memref<24x16xf32, #tpu.memory_space<vmem>>, vector<1x16xf32>,
      %get3A_194 = vector.shape_cast %get3A_193 : vector<1x16xf32> to vector<16xf32>
      %swap3A_195 = arith.index_cast %add3A_188 : i32 to index
      %swap3A_196 = arith.constant 0 : index
      %swap3A_197 = tpu.vector_load %arg12[%swap3A_195, %swap3A_196] {strides = array<i32>} : memref<256x32xf32, #tpu.memory_space<vmem>>, vector<1x16xf32>,
      %swap3A_198 = vector.shape_cast %swap3A_197 : vector<1x16xf32> to vector<16xf32>
      %swap3A_199 = vector.shape_cast %get3A_194 : vector<16xf32> to vector<1x16xf32>
      tpu.vector_store %arg12[%swap3A_195, %swap3A_196], %swap3A_199 {strides = array<i32>} : memref<256x32xf32, #tpu.memory_space<vmem>>, vector<1x16xf32>,
      %add3A_200 = arith.constant 256 : i32
      %add3A_201 = arith.addi %add3A_200, %add3A_188 : i32
      %slice3A_202 = vector.extract_strided_slice %mul3A_47 {offsets = [5], sizes = [1], strides = [1]} : vector<16xi32> to vector<1xi32>
      %squeeze3A_203 = vector.extract %slice3A_202[0] : i32 from vector<1xi32>
      %get3A_204 = arith.index_cast %add3A_201 : i32 to index
      %get3A_205 = arith.index_cast %squeeze3A_203 : i32 to index
      %get3A_206 = tpu.vector_load %arg11[%get3A_204, %get3A_205] {strides = array<i32>} : memref<512x128xf32, #tpu.memory_space<vmem>>, vector<1x16xf32>,
      %get3A_207 = vector.shape_cast %get3A_206 : vector<1x16xf32> to vector<16xf32>
      %swap3A_208 = arith.index_cast %add3A_188 : i32 to index
      %swap3A_209 = arith.constant 16 : index
      %swap3A_210 = tpu.vector_load %arg12[%swap3A_208, %swap3A_209] {strides = array<i32>} : memref<256x32xf32, #tpu.memory_space<vmem>>, vector<1x16xf32>,
      %swap3A_211 = vector.shape_cast %swap3A_210 : vector<1x16xf32> to vector<16xf32>
      %swap3A_212 = vector.shape_cast %get3A_207 : vector<16xf32> to vector<1x16xf32>
      tpu.vector_store %arg12[%swap3A_208, %swap3A_209], %swap3A_212 {strides = array<i32>} : memref<256x32xf32, #tpu.memory_space<vmem>>, vector<1x16xf32>,
      %mul3A_213 = arith.constant 16 : i32
      %mul3A_214 = arith.muli %add3A_29, %mul3A_213 : i32
      %add3A_215 = arith.constant 6 : i32
      %add3A_216 = arith.addi %mul3A_214, %add3A_215 : i32
      %slice3A_217 = vector.extract_strided_slice %get3A_35 {offsets = [6], sizes = [1], strides = [1]} : vector<16xi32> to vector<1xi32>
      %squeeze3A_218 = vector.extract %slice3A_217[0] : i32 from vector<1xi32>
      %get3A_219 = arith.index_cast %squeeze3A_218 : i32 to index
      %get3A_220 = arith.constant 0 : index
      %get3A_221 = tpu.vector_load %arg7[%get3A_219, %get3A_220] {strides = array<i32>} : memref<24x16xf32, #tpu.memory_space<vmem>>, vector<1x16xf32>,
      %get3A_222 = vector.shape_cast %get3A_221 : vector<1x16xf32> to vector<16xf32>
      %swap3A_223 = arith.index_cast %add3A_216 : i32 to index
      %swap3A_224 = arith.constant 0 : index
      %swap3A_225 = tpu.vector_load %arg12[%swap3A_223, %swap3A_224] {strides = array<i32>} : memref<256x32xf32, #tpu.memory_space<vmem>>, vector<1x16xf32>,
      %swap3A_226 = vector.shape_cast %swap3A_225 : vector<1x16xf32> to vector<16xf32>
      %swap3A_227 = vector.shape_cast %get3A_222 : vector<16xf32> to vector<1x16xf32>
      tpu.vector_store %arg12[%swap3A_223, %swap3A_224], %swap3A_227 {strides = array<i32>} : memref<256x32xf32, #tpu.memory_space<vmem>>, vector<1x16xf32>,
      %add3A_228 = arith.constant 256 : i32
      %add3A_229 = arith.addi %add3A_228, %add3A_216 : i32
      %slice3A_230 = vector.extract_strided_slice %mul3A_47 {offsets = [6], sizes = [1], strides = [1]} : vector<16xi32> to vector<1xi32>
      %squeeze3A_231 = vector.extract %slice3A_230[0] : i32 from vector<1xi32>
      %get3A_232 = arith.index_cast %add3A_229 : i32 to index
      %get3A_233 = arith.index_cast %squeeze3A_231 : i32 to index
      %get3A_234 = tpu.vector_load %arg11[%get3A_232, %get3A_233] {strides = array<i32>} : memref<512x128xf32, #tpu.memory_space<vmem>>, vector<1x16xf32>,
      %get3A_235 = vector.shape_cast %get3A_234 : vector<1x16xf32> to vector<16xf32>
      %swap3A_236 = arith.index_cast %add3A_216 : i32 to index
      %swap3A_237 = arith.constant 16 : index
      %swap3A_238 = tpu.vector_load %arg12[%swap3A_236, %swap3A_237] {strides = array<i32>} : memref<256x32xf32, #tpu.memory_space<vmem>>, vector<1x16xf32>,
      %swap3A_239 = vector.shape_cast %swap3A_238 : vector<1x16xf32> to vector<16xf32>
      %swap3A_240 = vector.shape_cast %get3A_235 : vector<16xf32> to vector<1x16xf32>
      tpu.vector_store %arg12[%swap3A_236, %swap3A_237], %swap3A_240 {strides = array<i32>} : memref<256x32xf32, #tpu.memory_space<vmem>>, vector<1x16xf32>,
      %mul3A_241 = arith.constant 16 : i32
      %mul3A_242 = arith.muli %add3A_29, %mul3A_241 : i32
      %add3A_243 = arith.constant 7 : i32
      %add3A_244 = arith.addi %mul3A_242, %add3A_243 : i32
      %slice3A_245 = vector.extract_strided_slice %get3A_35 {offsets = [7], sizes = [1], strides = [1]} : vector<16xi32> to vector<1xi32>
      %squeeze3A_246 = vector.extract %slice3A_245[0] : i32 from vector<1xi32>
      %get3A_247 = arith.index_cast %squeeze3A_246 : i32 to index
      %get3A_248 = arith.constant 0 : index
      %get3A_249 = tpu.vector_load %arg7[%get3A_247, %get3A_248] {strides = array<i32>} : memref<24x16xf32, #tpu.memory_space<vmem>>, vector<1x16xf32>,
      %get3A_250 = vector.shape_cast %get3A_249 : vector<1x16xf32> to vector<16xf32>
      %swap3A_251 = arith.index_cast %add3A_244 : i32 to index
      %swap3A_252 = arith.constant 0 : index
      %swap3A_253 = tpu.vector_load %arg12[%swap3A_251, %swap3A_252] {strides = array<i32>} : memref<256x32xf32, #tpu.memory_space<vmem>>, vector<1x16xf32>,
      %swap3A_254 = vector.shape_cast %swap3A_253 : vector<1x16xf32> to vector<16xf32>
      %swap3A_255 = vector.shape_cast %get3A_250 : vector<16xf32> to vector<1x16xf32>
      tpu.vector_store %arg12[%swap3A_251, %swap3A_252], %swap3A_255 {strides = array<i32>} : memref<256x32xf32, #tpu.memory_space<vmem>>, vector<1x16xf32>,
      %add3A_256 = arith.constant 256 : i32
      %add3A_257 = arith.addi %add3A_256, %add3A_244 : i32
      %slice3A_258 = vector.extract_strided_slice %mul3A_47 {offsets = [7], sizes = [1], strides = [1]} : vector<16xi32> to vector<1xi32>
      %squeeze3A_259 = vector.extract %slice3A_258[0] : i32 from vector<1xi32>
      %get3A_260 = arith.index_cast %add3A_257 : i32 to index
      %get3A_261 = arith.index_cast %squeeze3A_259 : i32 to index
      %get3A_262 = tpu.vector_load %arg11[%get3A_260, %get3A_261] {strides = array<i32>} : memref<512x128xf32, #tpu.memory_space<vmem>>, vector<1x16xf32>,
      %get3A_263 = vector.shape_cast %get3A_262 : vector<1x16xf32> to vector<16xf32>
      %swap3A_264 = arith.index_cast %add3A_244 : i32 to index
      %swap3A_265 = arith.constant 16 : index
      %swap3A_266 = tpu.vector_load %arg12[%swap3A_264, %swap3A_265] {strides = array<i32>} : memref<256x32xf32, #tpu.memory_space<vmem>>, vector<1x16xf32>,
      %swap3A_267 = vector.shape_cast %swap3A_266 : vector<1x16xf32> to vector<16xf32>
      %swap3A_268 = vector.shape_cast %get3A_263 : vector<16xf32> to vector<1x16xf32>
      tpu.vector_store %arg12[%swap3A_264, %swap3A_265], %swap3A_268 {strides = array<i32>} : memref<256x32xf32, #tpu.memory_space<vmem>>, vector<1x16xf32>,
      %mul3A_269 = arith.constant 16 : i32
      %mul3A_270 = arith.muli %add3A_29, %mul3A_269 : i32
      %add3A_271 = arith.constant 8 : i32
      %add3A_272 = arith.addi %mul3A_270, %add3A_271 : i32
      %slice3A_273 = vector.extract_strided_slice %get3A_35 {offsets = [8], sizes = [1], strides = [1]} : vector<16xi32> to vector<1xi32>
      %squeeze3A_274 = vector.extract %slice3A_273[0] : i32 from vector<1xi32>
      %get3A_275 = arith.index_cast %squeeze3A_274 : i32 to index
      %get3A_276 = arith.constant 0 : index
      %get3A_277 = tpu.vector_load %arg7[%get3A_275, %get3A_276] {strides = array<i32>} : memref<24x16xf32, #tpu.memory_space<vmem>>, vector<1x16xf32>,
      %get3A_278 = vector.shape_cast %get3A_277 : vector<1x16xf32> to vector<16xf32>
      %swap3A_279 = arith.index_cast %add3A_272 : i32 to index
      %swap3A_280 = arith.constant 0 : index
      %swap3A_281 = tpu.vector_load %arg12[%swap3A_279, %swap3A_280] {strides = array<i32>} : memref<256x32xf32, #tpu.memory_space<vmem>>, vector<1x16xf32>,
      %swap3A_282 = vector.shape_cast %swap3A_281 : vector<1x16xf32> to vector<16xf32>
      %swap3A_283 = vector.shape_cast %get3A_278 : vector<16xf32> to vector<1x16xf32>
      tpu.vector_store %arg12[%swap3A_279, %swap3A_280], %swap3A_283 {strides = array<i32>} : memref<256x32xf32, #tpu.memory_space<vmem>>, vector<1x16xf32>,
      %add3A_284 = arith.constant 256 : i32
      %add3A_285 = arith.addi %add3A_284, %add3A_272 : i32
      %slice3A_286 = vector.extract_strided_slice %mul3A_47 {offsets = [8], sizes = [1], strides = [1]} : vector<16xi32> to vector<1xi32>
      %squeeze3A_287 = vector.extract %slice3A_286[0] : i32 from vector<1xi32>
      %get3A_288 = arith.index_cast %add3A_285 : i32 to index
      %get3A_289 = arith.index_cast %squeeze3A_287 : i32 to index
      %get3A_290 = tpu.vector_load %arg11[%get3A_288, %get3A_289] {strides = array<i32>} : memref<512x128xf32, #tpu.memory_space<vmem>>, vector<1x16xf32>,
      %get3A_291 = vector.shape_cast %get3A_290 : vector<1x16xf32> to vector<16xf32>
      %swap3A_292 = arith.index_cast %add3A_272 : i32 to index
      %swap3A_293 = arith.constant 16 : index
      %swap3A_294 = tpu.vector_load %arg12[%swap3A_292, %swap3A_293] {strides = array<i32>} : memref<256x32xf32, #tpu.memory_space<vmem>>, vector<1x16xf32>,
      %swap3A_295 = vector.shape_cast %swap3A_294 : vector<1x16xf32> to vector<16xf32>
      %swap3A_296 = vector.shape_cast %get3A_291 : vector<16xf32> to vector<1x16xf32>
      tpu.vector_store %arg12[%swap3A_292, %swap3A_293], %swap3A_296 {strides = array<i32>} : memref<256x32xf32, #tpu.memory_space<vmem>>, vector<1x16xf32>,
      %mul3A_297 = arith.constant 16 : i32
      %mul3A_298 = arith.muli %add3A_29, %mul3A_297 : i32
      %add3A_299 = arith.constant 9 : i32
      %add3A_300 = arith.addi %mul3A_298, %add3A_299 : i32
      %slice3A_301 = vector.extract_strided_slice %get3A_35 {offsets = [9], sizes = [1], strides = [1]} : vector<16xi32> to vector<1xi32>
      %squeeze3A_302 = vector.extract %slice3A_301[0] : i32 from vector<1xi32>
      %get3A_303 = arith.index_cast %squeeze3A_302 : i32 to index
      %get3A_304 = arith.constant 0 : index
      %get3A_305 = tpu.vector_load %arg7[%get3A_303, %get3A_304] {strides = array<i32>} : memref<24x16xf32, #tpu.memory_space<vmem>>, vector<1x16xf32>,
      %get3A_306 = vector.shape_cast %get3A_305 : vector<1x16xf32> to vector<16xf32>
      %swap3A_307 = arith.index_cast %add3A_300 : i32 to index
      %swap3A_308 = arith.constant 0 : index
      %swap3A_309 = tpu.vector_load %arg12[%swap3A_307, %swap3A_308] {strides = array<i32>} : memref<256x32xf32, #tpu.memory_space<vmem>>, vector<1x16xf32>,
      %swap3A_310 = vector.shape_cast %swap3A_309 : vector<1x16xf32> to vector<16xf32>
      %swap3A_311 = vector.shape_cast %get3A_306 : vector<16xf32> to vector<1x16xf32>
      tpu.vector_store %arg12[%swap3A_307, %swap3A_308], %swap3A_311 {strides = array<i32>} : memref<256x32xf32, #tpu.memory_space<vmem>>, vector<1x16xf32>,
      %add3A_312 = arith.constant 256 : i32
      %add3A_313 = arith.addi %add3A_312, %add3A_300 : i32
      %slice3A_314 = vector.extract_strided_slice %mul3A_47 {offsets = [9], sizes = [1], strides = [1]} : vector<16xi32> to vector<1xi32>
      %squeeze3A_315 = vector.extract %slice3A_314[0] : i32 from vector<1xi32>
      %get3A_316 = arith.index_cast %add3A_313 : i32 to index
      %get3A_317 = arith.index_cast %squeeze3A_315 : i32 to index
      %get3A_318 = tpu.vector_load %arg11[%get3A_316, %get3A_317] {strides = array<i32>} : memref<512x128xf32, #tpu.memory_space<vmem>>, vector<1x16xf32>,
      %get3A_319 = vector.shape_cast %get3A_318 : vector<1x16xf32> to vector<16xf32>
      %swap3A_320 = arith.index_cast %add3A_300 : i32 to index
      %swap3A_321 = arith.constant 16 : index
      %swap3A_322 = tpu.vector_load %arg12[%swap3A_320, %swap3A_321] {strides = array<i32>} : memref<256x32xf32, #tpu.memory_space<vmem>>, vector<1x16xf32>,
      %swap3A_323 = vector.shape_cast %swap3A_322 : vector<1x16xf32> to vector<16xf32>
      %swap3A_324 = vector.shape_cast %get3A_319 : vector<16xf32> to vector<1x16xf32>
      tpu.vector_store %arg12[%swap3A_320, %swap3A_321], %swap3A_324 {strides = array<i32>} : memref<256x32xf32, #tpu.memory_space<vmem>>, vector<1x16xf32>,
      %mul3A_325 = arith.constant 16 : i32
      %mul3A_326 = arith.muli %add3A_29, %mul3A_325 : i32
      %add3A_327 = arith.constant 10 : i32
      %add3A_328 = arith.addi %mul3A_326, %add3A_327 : i32
      %slice3A_329 = vector.extract_strided_slice %get3A_35 {offsets = [10], sizes = [1], strides = [1]} : vector<16xi32> to vector<1xi32>
      %squeeze3A_330 = vector.extract %slice3A_329[0] : i32 from vector<1xi32>
      %get3A_331 = arith.index_cast %squeeze3A_330 : i32 to index
      %get3A_332 = arith.constant 0 : index
      %get3A_333 = tpu.vector_load %arg7[%get3A_331, %get3A_332] {strides = array<i32>} : memref<24x16xf32, #tpu.memory_space<vmem>>, vector<1x16xf32>,
      %get3A_334 = vector.shape_cast %get3A_333 : vector<1x16xf32> to vector<16xf32>
      %swap3A_335 = arith.index_cast %add3A_328 : i32 to index
      %swap3A_336 = arith.constant 0 : index
      %swap3A_337 = tpu.vector_load %arg12[%swap3A_335, %swap3A_336] {strides = array<i32>} : memref<256x32xf32, #tpu.memory_space<vmem>>, vector<1x16xf32>,
      %swap3A_338 = vector.shape_cast %swap3A_337 : vector<1x16xf32> to vector<16xf32>
      %swap3A_339 = vector.shape_cast %get3A_334 : vector<16xf32> to vector<1x16xf32>
      tpu.vector_store %arg12[%swap3A_335, %swap3A_336], %swap3A_339 {strides = array<i32>} : memref<256x32xf32, #tpu.memory_space<vmem>>, vector<1x16xf32>,
      %add3A_340 = arith.constant 256 : i32
      %add3A_341 = arith.addi %add3A_340, %add3A_328 : i32
      %slice3A_342 = vector.extract_strided_slice %mul3A_47 {offsets = [10], sizes = [1], strides = [1]} : vector<16xi32> to vector<1xi32>
      %squeeze3A_343 = vector.extract %slice3A_342[0] : i32 from vector<1xi32>
      %get3A_344 = arith.index_cast %add3A_341 : i32 to index
      %get3A_345 = arith.index_cast %squeeze3A_343 : i32 to index
      %get3A_346 = tpu.vector_load %arg11[%get3A_344, %get3A_345] {strides = array<i32>} : memref<512x128xf32, #tpu.memory_space<vmem>>, vector<1x16xf32>,
      %get3A_347 = vector.shape_cast %get3A_346 : vector<1x16xf32> to vector<16xf32>
      %swap3A_348 = arith.index_cast %add3A_328 : i32 to index
      %swap3A_349 = arith.constant 16 : index
      %swap3A_350 = tpu.vector_load %arg12[%swap3A_348, %swap3A_349] {strides = array<i32>} : memref<256x32xf32, #tpu.memory_space<vmem>>, vector<1x16xf32>,
      %swap3A_351 = vector.shape_cast %swap3A_350 : vector<1x16xf32> to vector<16xf32>
      %swap3A_352 = vector.shape_cast %get3A_347 : vector<16xf32> to vector<1x16xf32>
      tpu.vector_store %arg12[%swap3A_348, %swap3A_349], %swap3A_352 {strides = array<i32>} : memref<256x32xf32, #tpu.memory_space<vmem>>, vector<1x16xf32>,
      %mul3A_353 = arith.constant 16 : i32
      %mul3A_354 = arith.muli %add3A_29, %mul3A_353 : i32
      %add3A_355 = arith.constant 11 : i32
      %add3A_356 = arith.addi %mul3A_354, %add3A_355 : i32
      %slice3A_357 = vector.extract_strided_slice %get3A_35 {offsets = [11], sizes = [1], strides = [1]} : vector<16xi32> to vector<1xi32>
      %squeeze3A_358 = vector.extract %slice3A_357[0] : i32 from vector<1xi32>
      %get3A_359 = arith.index_cast %squeeze3A_358 : i32 to index
      %get3A_360 = arith.constant 0 : index
      %get3A_361 = tpu.vector_load %arg7[%get3A_359, %get3A_360] {strides = array<i32>} : memref<24x16xf32, #tpu.memory_space<vmem>>, vector<1x16xf32>,
      %get3A_362 = vector.shape_cast %get3A_361 : vector<1x16xf32> to vector<16xf32>
      %swap3A_363 = arith.index_cast %add3A_356 : i32 to index
      %swap3A_364 = arith.constant 0 : index
      %swap3A_365 = tpu.vector_load %arg12[%swap3A_363, %swap3A_364] {strides = array<i32>} : memref<256x32xf32, #tpu.memory_space<vmem>>, vector<1x16xf32>,
      %swap3A_366 = vector.shape_cast %swap3A_365 : vector<1x16xf32> to vector<16xf32>
      %swap3A_367 = vector.shape_cast %get3A_362 : vector<16xf32> to vector<1x16xf32>
      tpu.vector_store %arg12[%swap3A_363, %swap3A_364], %swap3A_367 {strides = array<i32>} : memref<256x32xf32, #tpu.memory_space<vmem>>, vector<1x16xf32>,
      %add3A_368 = arith.constant 256 : i32
      %add3A_369 = arith.addi %add3A_368, %add3A_356 : i32
      %slice3A_370 = vector.extract_strided_slice %mul3A_47 {offsets = [11], sizes = [1], strides = [1]} : vector<16xi32> to vector<1xi32>
      %squeeze3A_371 = vector.extract %slice3A_370[0] : i32 from vector<1xi32>
      %get3A_372 = arith.index_cast %add3A_369 : i32 to index
      %get3A_373 = arith.index_cast %squeeze3A_371 : i32 to index
      %get3A_374 = tpu.vector_load %arg11[%get3A_372, %get3A_373] {strides = array<i32>} : memref<512x128xf32, #tpu.memory_space<vmem>>, vector<1x16xf32>,
      %get3A_375 = vector.shape_cast %get3A_374 : vector<1x16xf32> to vector<16xf32>
      %swap3A_376 = arith.index_cast %add3A_356 : i32 to index
      %swap3A_377 = arith.constant 16 : index
      %swap3A_378 = tpu.vector_load %arg12[%swap3A_376, %swap3A_377] {strides = array<i32>} : memref<256x32xf32, #tpu.memory_space<vmem>>, vector<1x16xf32>,
      %swap3A_379 = vector.shape_cast %swap3A_378 : vector<1x16xf32> to vector<16xf32>
      %swap3A_380 = vector.shape_cast %get3A_375 : vector<16xf32> to vector<1x16xf32>
      tpu.vector_store %arg12[%swap3A_376, %swap3A_377], %swap3A_380 {strides = array<i32>} : memref<256x32xf32, #tpu.memory_space<vmem>>, vector<1x16xf32>,
      %mul3A_381 = arith.constant 16 : i32
      %mul3A_382 = arith.muli %add3A_29, %mul3A_381 : i32
      %add3A_383 = arith.constant 12 : i32
      %add3A_384 = arith.addi %mul3A_382, %add3A_383 : i32
      %slice3A_385 = vector.extract_strided_slice %get3A_35 {offsets = [12], sizes = [1], strides = [1]} : vector<16xi32> to vector<1xi32>
      %squeeze3A_386 = vector.extract %slice3A_385[0] : i32 from vector<1xi32>
      %get3A_387 = arith.index_cast %squeeze3A_386 : i32 to index
      %get3A_388 = arith.constant 0 : index
      %get3A_389 = tpu.vector_load %arg7[%get3A_387, %get3A_388] {strides = array<i32>} : memref<24x16xf32, #tpu.memory_space<vmem>>, vector<1x16xf32>,
      %get3A_390 = vector.shape_cast %get3A_389 : vector<1x16xf32> to vector<16xf32>
      %swap3A_391 = arith.index_cast %add3A_384 : i32 to index
      %swap3A_392 = arith.constant 0 : index
      %swap3A_393 = tpu.vector_load %arg12[%swap3A_391, %swap3A_392] {strides = array<i32>} : memref<256x32xf32, #tpu.memory_space<vmem>>, vector<1x16xf32>,
      %swap3A_394 = vector.shape_cast %swap3A_393 : vector<1x16xf32> to vector<16xf32>
      %swap3A_395 = vector.shape_cast %get3A_390 : vector<16xf32> to vector<1x16xf32>
      tpu.vector_store %arg12[%swap3A_391, %swap3A_392], %swap3A_395 {strides = array<i32>} : memref<256x32xf32, #tpu.memory_space<vmem>>, vector<1x16xf32>,
      %add3A_396 = arith.constant 256 : i32
      %add3A_397 = arith.addi %add3A_396, %add3A_384 : i32
      %slice3A_398 = vector.extract_strided_slice %mul3A_47 {offsets = [12], sizes = [1], strides = [1]} : vector<16xi32> to vector<1xi32>
      %squeeze3A_399 = vector.extract %slice3A_398[0] : i32 from vector<1xi32>
      %get3A_400 = arith.index_cast %add3A_397 : i32 to index
      %get3A_401 = arith.index_cast %squeeze3A_399 : i32 to index
      %get3A_402 = tpu.vector_load %arg11[%get3A_400, %get3A_401] {strides = array<i32>} : memref<512x128xf32, #tpu.memory_space<vmem>>, vector<1x16xf32>,
      %get3A_403 = vector.shape_cast %get3A_402 : vector<1x16xf32> to vector<16xf32>
      %swap3A_404 = arith.index_cast %add3A_384 : i32 to index
      %swap3A_405 = arith.constant 16 : index
      %swap3A_406 = tpu.vector_load %arg12[%swap3A_404, %swap3A_405] {strides = array<i32>} : memref<256x32xf32, #tpu.memory_space<vmem>>, vector<1x16xf32>,
      %swap3A_407 = vector.shape_cast %swap3A_406 : vector<1x16xf32> to vector<16xf32>
      %swap3A_408 = vector.shape_cast %get3A_403 : vector<16xf32> to vector<1x16xf32>
      tpu.vector_store %arg12[%swap3A_404, %swap3A_405], %swap3A_408 {strides = array<i32>} : memref<256x32xf32, #tpu.memory_space<vmem>>, vector<1x16xf32>,
      %mul3A_409 = arith.constant 16 : i32
      %mul3A_410 = arith.muli %add3A_29, %mul3A_409 : i32
      %add3A_411 = arith.constant 13 : i32
      %add3A_412 = arith.addi %mul3A_410, %add3A_411 : i32
      %slice3A_413 = vector.extract_strided_slice %get3A_35 {offsets = [13], sizes = [1], strides = [1]} : vector<16xi32> to vector<1xi32>
      %squeeze3A_414 = vector.extract %slice3A_413[0] : i32 from vector<1xi32>
      %get3A_415 = arith.index_cast %squeeze3A_414 : i32 to index
      %get3A_416 = arith.constant 0 : index
      %get3A_417 = tpu.vector_load %arg7[%get3A_415, %get3A_416] {strides = array<i32>} : memref<24x16xf32, #tpu.memory_space<vmem>>, vector<1x16xf32>,
      %get3A_418 = vector.shape_cast %get3A_417 : vector<1x16xf32> to vector<16xf32>
      %swap3A_419 = arith.index_cast %add3A_412 : i32 to index
      %swap3A_420 = arith.constant 0 : index
      %swap3A_421 = tpu.vector_load %arg12[%swap3A_419, %swap3A_420] {strides = array<i32>} : memref<256x32xf32, #tpu.memory_space<vmem>>, vector<1x16xf32>,
      %swap3A_422 = vector.shape_cast %swap3A_421 : vector<1x16xf32> to vector<16xf32>
      %swap3A_423 = vector.shape_cast %get3A_418 : vector<16xf32> to vector<1x16xf32>
      tpu.vector_store %arg12[%swap3A_419, %swap3A_420], %swap3A_423 {strides = array<i32>} : memref<256x32xf32, #tpu.memory_space<vmem>>, vector<1x16xf32>,
      %add3A_424 = arith.constant 256 : i32
      %add3A_425 = arith.addi %add3A_424, %add3A_412 : i32
      %slice3A_426 = vector.extract_strided_slice %mul3A_47 {offsets = [13], sizes = [1], strides = [1]} : vector<16xi32> to vector<1xi32>
      %squeeze3A_427 = vector.extract %slice3A_426[0] : i32 from vector<1xi32>
      %get3A_428 = arith.index_cast %add3A_425 : i32 to index
      %get3A_429 = arith.index_cast %squeeze3A_427 : i32 to index
      %get3A_430 = tpu.vector_load %arg11[%get3A_428, %get3A_429] {strides = array<i32>} : memref<512x128xf32, #tpu.memory_space<vmem>>, vector<1x16xf32>,
      %get3A_431 = vector.shape_cast %get3A_430 : vector<1x16xf32> to vector<16xf32>
      %swap3A_432 = arith.index_cast %add3A_412 : i32 to index
      %swap3A_433 = arith.constant 16 : index
      %swap3A_434 = tpu.vector_load %arg12[%swap3A_432, %swap3A_433] {strides = array<i32>} : memref<256x32xf32, #tpu.memory_space<vmem>>, vector<1x16xf32>,
      %swap3A_435 = vector.shape_cast %swap3A_434 : vector<1x16xf32> to vector<16xf32>
      %swap3A_436 = vector.shape_cast %get3A_431 : vector<16xf32> to vector<1x16xf32>
      tpu.vector_store %arg12[%swap3A_432, %swap3A_433], %swap3A_436 {strides = array<i32>} : memref<256x32xf32, #tpu.memory_space<vmem>>, vector<1x16xf32>,
      %mul3A_437 = arith.constant 16 : i32
      %mul3A_438 = arith.muli %add3A_29, %mul3A_437 : i32
      %add3A_439 = arith.constant 14 : i32
      %add3A_440 = arith.addi %mul3A_438, %add3A_439 : i32
      %slice3A_441 = vector.extract_strided_slice %get3A_35 {offsets = [14], sizes = [1], strides = [1]} : vector<16xi32> to vector<1xi32>
      %squeeze3A_442 = vector.extract %slice3A_441[0] : i32 from vector<1xi32>
      %get3A_443 = arith.index_cast %squeeze3A_442 : i32 to index
      %get3A_444 = arith.constant 0 : index
      %get3A_445 = tpu.vector_load %arg7[%get3A_443, %get3A_444] {strides = array<i32>} : memref<24x16xf32, #tpu.memory_space<vmem>>, vector<1x16xf32>,
      %get3A_446 = vector.shape_cast %get3A_445 : vector<1x16xf32> to vector<16xf32>
      %swap3A_447 = arith.index_cast %add3A_440 : i32 to index
      %swap3A_448 = arith.constant 0 : index
      %swap3A_449 = tpu.vector_load %arg12[%swap3A_447, %swap3A_448] {strides = array<i32>} : memref<256x32xf32, #tpu.memory_space<vmem>>, vector<1x16xf32>,
      %swap3A_450 = vector.shape_cast %swap3A_449 : vector<1x16xf32> to vector<16xf32>
      %swap3A_451 = vector.shape_cast %get3A_446 : vector<16xf32> to vector<1x16xf32>
      tpu.vector_store %arg12[%swap3A_447, %swap3A_448], %swap3A_451 {strides = array<i32>} : memref<256x32xf32, #tpu.memory_space<vmem>>, vector<1x16xf32>,
      %add3A_452 = arith.constant 256 : i32
      %add3A_453 = arith.addi %add3A_452, %add3A_440 : i32
      %slice3A_454 = vector.extract_strided_slice %mul3A_47 {offsets = [14], sizes = [1], strides = [1]} : vector<16xi32> to vector<1xi32>
      %squeeze3A_455 = vector.extract %slice3A_454[0] : i32 from vector<1xi32>
      %get3A_456 = arith.index_cast %add3A_453 : i32 to index
      %get3A_457 = arith.index_cast %squeeze3A_455 : i32 to index
      %get3A_458 = tpu.vector_load %arg11[%get3A_456, %get3A_457] {strides = array<i32>} : memref<512x128xf32, #tpu.memory_space<vmem>>, vector<1x16xf32>,
      %get3A_459 = vector.shape_cast %get3A_458 : vector<1x16xf32> to vector<16xf32>
      %swap3A_460 = arith.index_cast %add3A_440 : i32 to index
      %swap3A_461 = arith.constant 16 : index
      %swap3A_462 = tpu.vector_load %arg12[%swap3A_460, %swap3A_461] {strides = array<i32>} : memref<256x32xf32, #tpu.memory_space<vmem>>, vector<1x16xf32>,
      %swap3A_463 = vector.shape_cast %swap3A_462 : vector<1x16xf32> to vector<16xf32>
      %swap3A_464 = vector.shape_cast %get3A_459 : vector<16xf32> to vector<1x16xf32>
      tpu.vector_store %arg12[%swap3A_460, %swap3A_461], %swap3A_464 {strides = array<i32>} : memref<256x32xf32, #tpu.memory_space<vmem>>, vector<1x16xf32>,
      %mul3A_465 = arith.constant 16 : i32
      %mul3A_466 = arith.muli %add3A_29, %mul3A_465 : i32
      %add3A_467 = arith.constant 15 : i32
      %add3A_468 = arith.addi %mul3A_466, %add3A_467 : i32
      %slice3A_469 = vector.extract_strided_slice %get3A_35 {offsets = [15], sizes = [1], strides = [1]} : vector<16xi32> to vector<1xi32>
      %squeeze3A_470 = vector.extract %slice3A_469[0] : i32 from vector<1xi32>
      %get3A_471 = arith.index_cast %squeeze3A_470 : i32 to index
      %get3A_472 = arith.constant 0 : index
      %get3A_473 = tpu.vector_load %arg7[%get3A_471, %get3A_472] {strides = array<i32>} : memref<24x16xf32, #tpu.memory_space<vmem>>, vector<1x16xf32>,
      %get3A_474 = vector.shape_cast %get3A_473 : vector<1x16xf32> to vector<16xf32>
      %swap3A_475 = arith.index_cast %add3A_468 : i32 to index
      %swap3A_476 = arith.constant 0 : index
      %swap3A_477 = tpu.vector_load %arg12[%swap3A_475, %swap3A_476] {strides = array<i32>} : memref<256x32xf32, #tpu.memory_space<vmem>>, vector<1x16xf32>,
      %swap3A_478 = vector.shape_cast %swap3A_477 : vector<1x16xf32> to vector<16xf32>
      %swap3A_479 = vector.shape_cast %get3A_474 : vector<16xf32> to vector<1x16xf32>
      tpu.vector_store %arg12[%swap3A_475, %swap3A_476], %swap3A_479 {strides = array<i32>} : memref<256x32xf32, #tpu.memory_space<vmem>>, vector<1x16xf32>,
      %add3A_480 = arith.constant 256 : i32
      %add3A_481 = arith.addi %add3A_480, %add3A_468 : i32
      %slice3A_482 = vector.extract_strided_slice %mul3A_47 {offsets = [15], sizes = [1], strides = [1]} : vector<16xi32> to vector<1xi32>
      %squeeze3A_483 = vector.extract %slice3A_482[0] : i32 from vector<1xi32>
      %get3A_484 = arith.index_cast %add3A_481 : i32 to index
      %get3A_485 = arith.index_cast %squeeze3A_483 : i32 to index
      %get3A_486 = tpu.vector_load %arg11[%get3A_484, %get3A_485] {strides = array<i32>} : memref<512x128xf32, #tpu.memory_space<vmem>>, vector<1x16xf32>,
      %get3A_487 = vector.shape_cast %get3A_486 : vector<1x16xf32> to vector<16xf32>
      %swap3A_488 = arith.index_cast %add3A_468 : i32 to index
      %swap3A_489 = arith.constant 16 : index
      %swap3A_490 = tpu.vector_load %arg12[%swap3A_488, %swap3A_489] {strides = array<i32>} : memref<256x32xf32, #tpu.memory_space<vmem>>, vector<1x16xf32>,
      %swap3A_491 = vector.shape_cast %swap3A_490 : vector<1x16xf32> to vector<16xf32>
      %swap3A_492 = vector.shape_cast %get3A_487 : vector<16xf32> to vector<1x16xf32>
      tpu.vector_store %arg12[%swap3A_488, %swap3A_489], %swap3A_492 {strides = array<i32>} : memref<256x32xf32, #tpu.memory_space<vmem>>, vector<1x16xf32>,
    }
    %scan3A_22 = arith.constant 16 : i32
    %add3A_23 = arith.constant 256 : i32
    %add3A_24 = arith.addi %mul3A_2, %add3A_23 : i32
    "tpu.region"() ({
      %run_scoped3A = tpu.sem_alloc : memref<!tpu.dma_semaphore, #tpu.memory_space<semaphore_mem>>
      %dma_start3A_25 = arith.constant 0 : i32
      %dma_start3A_26 = tpu.memref_slice %arg6[%add3A_24, %dma_start3A_25] : memref<16384x32xf32, #tpu.memory_space<hbm>> -> memref<256x32xf32, #tpu.memory_space<hbm>>
      %dma_start3A_27 = arith.constant 0 : i32
      %dma_start3A_28 = tpu.memref_slice %arg6[%add3A_24, %dma_start3A_27] : memref<16384x32xf32, #tpu.memory_space<hbm>> -> memref<256x32xf32, #tpu.memory_space<hbm>>
      tpu.enqueue_dma source(%arg12 : memref<256x32xf32, #tpu.memory_space<vmem>>) target(%dma_start3A_28 : memref<256x32xf32, #tpu.memory_space<hbm>>) target_semaphore(%run_scoped3A : memref<!tpu.dma_semaphore, #tpu.memory_space<semaphore_mem>>)
      %dma_wait3A_29 = arith.constant 0 : i32
      %dma_wait3A_30 = tpu.memref_slice %arg6[%add3A_24, %dma_wait3A_29] : memref<16384x32xf32, #tpu.memory_space<hbm>> -> memref<256x32xf32, #tpu.memory_space<hbm>>
      %dma_wait3A_31 = arith.constant 0 : i32
      %dma_wait3A_32 = tpu.memref_slice %arg6[%add3A_24, %dma_wait3A_31] : memref<16384x32xf32, #tpu.memory_space<hbm>> -> memref<256x32xf32, #tpu.memory_space<hbm>>
      tpu.wait_dma2 semaphore(%run_scoped3A : memref<!tpu.dma_semaphore, #tpu.memory_space<semaphore_mem>>) src(%arg12 : memref<256x32xf32, #tpu.memory_space<vmem>>) dst(%dma_wait3A_32 : memref<256x32xf32, #tpu.memory_space<hbm>>)
      tpu.yield
    }) : () -> ()
    return
  }
}

</mosaic_0001>

<sc_bundles>
// kernel: _context_embedding_sc.3.cloned.1.call-start
scs
__scs_entry_jumppad:
0x0: {  	(pc) =	sbr.rel $0x88, $3  }
0x1: {  	(tag) =	ssettag $0x0;
	lr =	simm.s32 $0x1  }
0x2: {  	[smem:$0x3F9D] =	sst lr;
	_ =	strace $0xD0000000  }
0x3: {  	_ = 	snop  }
0x4: {  	_ = 	snop  }
0x5: {  	_ = 	snop  }
0x6: {  	_ = 	snop  }
0x7: {  	_ = 	snop  }
__scs_overlays_trampoline_lowered:
0x8: {  	[smem:$0x3FAC] =	sst s0  }
0x9: {  	[smem:$0x3FAD] =	sst s1  }
0xa: {  	[smem:$0x3FAE] =	sst s2  }
0xb: {  	[smem:$0x3FAF] =	sst s3  }
0xc: {  	[smem:$0x3FB0] =	sst s4  }
0xd: {  	[smem:$0x3FB1] =	sst s5  }
0xe: {  	[smem:$0x3FB2] =	sst s6  }
0xf: {  	[smem:$0x3FB3] =	sst s7  }
0x10: {  	[smem:$0x3FB4] =	sst s8  }
0x11: {  	[smem:$0x3FB5] =	sst s9;
	s0 =	simm.s32 @!p0 $0x0  }
0x12: {  	s1 =	sld [smem:$0x3F9B];
	s0 =	simm.s32 @p0 $0x1  }
0x13: {  	[smem:$0x3FB6] =	sst s0;
	s0 =	simm.s32 @!p1 $0x0  }
0x14: {  	s2 =	sld [smem:$0x3F9A];
	s0 =	simm.s32 @p1 $0x1  }
0x15: {  	[smem:$0x3FB7] =	sst s0;
	s0 =	simm.s32 @!p2 $0x0  }
0x16: {  	s3 =	sld [smem:$0x3FDB];
	s0 =	simm.s32 @p2 $0x1  }
0x17: {  	s4 =	simm.s32 $0x1BF5;
	[smem:$0x3FB9] =	sst s0  }
0x18: {  	s0 =	sld [smem:$0x3F9C];
	_ =	swait.ge [sflag:s4], $0x0  }
0x19: {  	s7 =	sld [smem:$0x3F9D]  }
0x1a: {  	s8 =	sadd.s32 $0xFFFFE003, lr  }
0x1b: {  	s9 =	sadd.s32 $0xFFFFFEF7, lr;
	s5 =	simm.s32 $0xFFFFFFFF;
	p2 =	slt.u32 s8, $0xFFFFF086  }
0x1c: {  	p1 =	slt.u32 s9, $0xF7A;
	s5 =	simm.s32 @!p2 $0x0  }
0x1d: {  	s5 =	simm.s32 @p1 $0x1;
	p0 =	seq.s32 s7, s2  }
0x1e: {  	s7 =	smul.u32 @!p0 $0xF7A, s2;
	p2 =	seq.s32 @!p0 s5, $0x0  }
0x1f: {  	s9 =	smul.u32 $0xF7A, s1;
	s8 =	simm.s32 @!p0 $0x1BF5;
	p2 =	por !p2, p0  }
0x20: {  	[sflag:s8] =	ssyncset.s32 @!p0 $0xFFFFF086;
	s6 =	sadd.s32 @!p0 s3, s7;
	s7 =	simm.s32 @!p0 $0x108  }
0x21: {  	s3 =	sadd.s32 s3, s9;
	s6 =	sadd.s32 @!p0 $0x88, s6;
	s7 =	simm.s32 @p2 $0x1082  }
0x22: {  	[simem:s7], [sflag:s8] =	dma.local @!p0 [hbm:s6], $0xF7A  }
0x23: {  	s9 =	sor.u32 $0xD0000000, s2;
	s6 =	simm.s32 $0x108;
	_ =	swait.ge @!p0 [sflag:s8], $0x0  }
0x24: {  	s3 =	sadd.s32 $0x88, s3;
	s6 =	simm.s32 @!p1 $0x1082;
	[sflag:s4] =	ssyncset.s32 $0xFFFFF086  }
0x25: {  	[simem:s6], [sflag:s4] =	dma.local [hbm:s3], $0xF7A  }
0x26: {  	[smem:$0x3F9D] =	sst s1;
	(tag) =	ssettag s2;
	_ =	strace s9  }
0x27: {  	s1 =	sld [smem:$0x3FAD]  }
0x28: {  	s2 =	sld [smem:$0x3FAE]  }
0x29: {  	s4 =	sld [smem:$0x3FB0]  }
0x2a: {  	p0 =	seq.s32 s5, $0x0;
	s5 =	sld [smem:$0x3FB1]  }
0x2b: {  	s6 =	sld [smem:$0x3FB2]  }
0x2c: {  	s7 =	sld [smem:$0x3FB3]  }
0x2d: {  	s3 =	simm.s32 $0x108;
	s8 =	sld [smem:$0x3FB4]  }
0x2e: {  	s3 =	simm.s32 @!p0 $0x1082;
	s9 =	sld [smem:$0x3FB5]  }
0x2f: {  	lr =	sadd.s32 s0, s3;
	s0 =	sld [smem:$0x3FAC]  }
0x30: {  	s3 =	sld [smem:$0x3FAF]  }
0x31: {  	[smem:$0x3FB8] =	sst s10  }
0x32: {  	s10 =	sld [smem:$0x3FB6];
	_ =	sdelay $0x3  }
0x33: {  	p0 =	seq.s32 s10, $0x1;
	s10 =	sld [smem:$0x3FB8];
	_ =	sdelay $0x3  }
0x34: {  	[smem:$0x3FB8] =	sst s10  }
0x35: {  	s10 =	sld [smem:$0x3FB7];
	_ =	sdelay $0x3  }
0x36: {  	p1 =	seq.s32 s10, $0x1;
	s10 =	sld [smem:$0x3FB8];
	_ =	sdelay $0x3  }
0x37: {  	[smem:$0x3FB8] =	sst s10  }
0x38: {  	s10 =	sld [smem:$0x3FB9]  }
0x39: {  	_ = 	snop;
	(pc) =	sbr.ind lr, $3  }
0x3a: {  	_ = 	snop  }
0x3b: {  	_ = 	snop  }
0x3c: {  	p2 =	seq.s32 s10, $0x1;
	s10 =	sld [smem:$0x3FB8]  }
0x3d: {  	_ =	shalt  }
0x3e: {  	_ =	shalt  }
0x3f: {  	_ =	shalt  }
0x40: {  	_ =	shalt  }
0x41: {  	_ =	shalt  }
0x42: {  	_ =	shalt  }
0x43: {  	_ =	shalt  }
0x44: {  	_ =	shalt  }
0x45: {  	_ =	shalt  }
0x46: {  	_ =	shalt  }
0x47: {  	_ =	shalt  }
0x48: {  	_ =	shalt  }
0x49: {  	_ =	shalt  }
0x4a: {  	_ =	shalt  }
0x4b: {  	_ =	shalt  }
0x4c: {  	_ =	shalt  }
0x4d: {  	_ =	shalt  }
0x4e: {  	_ =	shalt  }
0x4f: {  	_ =	shalt  }
0x50: {  	_ =	shalt  }
0x51: {  	_ =	shalt  }
0x52: {  	_ =	shalt  }
0x53: {  	_ =	shalt  }
0x54: {  	_ =	shalt  }
0x55: {  	_ =	shalt  }
0x56: {  	_ =	shalt  }
0x57: {  	_ =	shalt  }
0x58: {  	_ =	shalt  }
0x59: {  	_ =	shalt  }
0x5a: {  	_ =	shalt  }
0x5b: {  	_ =	shalt  }
0x5c: {  	_ =	shalt  }
0x5d: {  	_ =	shalt  }
0x5e: {  	_ =	shalt  }
0x5f: {  	_ =	shalt  }
0x60: {  	_ =	shalt  }
0x61: {  	_ =	shalt  }
0x62: {  	_ =	shalt  }
0x63: {  	_ =	shalt  }
0x64: {  	_ =	shalt  }
0x65: {  	_ =	shalt  }
0x66: {  	_ =	shalt  }
0x67: {  	_ =	shalt  }
0x68: {  	_ =	shalt  }
0x69: {  	_ =	shalt  }
0x6a: {  	_ =	shalt  }
0x6b: {  	_ =	shalt  }
0x6c: {  	_ =	shalt  }
0x6d: {  	_ =	shalt  }
0x6e: {  	_ =	shalt  }
0x6f: {  	_ =	shalt  }
0x70: {  	_ =	shalt  }
0x71: {  	_ =	shalt  }
0x72: {  	_ =	shalt  }
0x73: {  	_ =	shalt  }
0x74: {  	_ =	shalt  }
0x75: {  	_ =	shalt  }
0x76: {  	_ =	shalt  }
0x77: {  	_ =	shalt  }
0x78: {  	_ =	shalt  }
0x79: {  	_ =	shalt  }
0x7a: {  	_ =	shalt  }
0x7b: {  	_ =	shalt  }
0x7c: {  	_ =	shalt  }
0x7d: {  	_ =	shalt  }
0x7e: {  	_ =	shalt  }
0x7f: {  	_ =	shalt  }
0x80: {  	_ =	shalt  }
0x81: {  	_ =	shalt  }
0x82: {  	_ =	shalt  }
0x83: {  	_ =	shalt  }
0x84: {  	_ =	shalt  }
0x85: {  	_ =	shalt  }
0x86: {  	_ =	shalt  }
0x87: {  	_ =	shalt  }
.Lfunc_end0:
.L_simem_size_0:
called_computation_lowered:
.L_overlay_start_0:
0x88: {  	s2 =	sld [smem:$0x3FD9]  }
0x89: {  	s3 =	sld [smem:$0x3FFE];
	_ =	sdelay $0x1  }
0x8a: {  	s1 =	srdreg.scid  }
0x8b: {  	s0 =	sand.u32 $0x1, s1  }
0x8c: {  	s17 =	sshll.u32 s0, $0xA;
	s2 =	sadd.s32 s3, s2  }
0x8d: {  	s2 =	sadd.s32 s2, s17  }
0x8e: {  	[smem:$0x3FC4] =	sst s2  }
0x8f: {  	_ = 	snop  }
0x90: {  	s2 =	sld [smem:$0x3FC9]  }
0x91: {  	s18 =	sld [smem:$0x3FC8]  }
0x92: {  	s4 =	sld [smem:$0x3FC6]  }
0x93: {  	s5 =	sld [smem:$0x3FD0];
	(tm) =	ssettm $0x1  }
0x94: {  	s6 =	sld [smem:$0x3FFB];
	_ =	sdelay $0x3  }
0x95: {  	_ =	strace s6  }
0x96: {  	s6 =	sld [smem:$0x3FFC];
	_ =	sdelay $0x3  }
0x97: {  	_ =	strace s6  }
0x98: {  	s6 =	sld [smem:$0x3FFD];
	_ =	sdelay $0x3  }
0x99: {  	_ =	strace s6  }
0x9a: {  	_ =	strace $0x8FFFFFFF  }
0x9b: {  	s19 =	sld [smem:$0x3FDB];
	_ =	sdelay $0x1  }
0x9c: {  	s7 =	simm.s32 $_scs_section_size  }
0x9d: {  	s8 =	simm.s32 $_size__tile_overlayer_lowered;
	s9 =	simm.s32 $_tile_overlayer_lowered  }
0x9e: {  	s22 =	simm.s32 $0x1BFF;
	s21 =	sshll.u32 s9, $0x1;
	s6 =	sadd.s32 s7, s19  }
0x9f: {  	s10 =	simm.s32 $0x0;
	s20 =	sshll.u32 s8, $0x1;
	s8 =	sadd.s32 s21, s6  }
0xa0: {  	[timem:s10], [sflag:s22] =	dma.local [hbm:s8], s20  }
0xa1: {  	_ =	swait.ge [sflag:s22], s20  }
0xa2: {  	s7 =	ssub.s32 $0x0, s20;
	[sflag:s22] =	ssyncset.done $0x0  }
0xa3: {  	[sflag:s22] =	ssyncadd.s32 s7;
	_ =	sdelay $0x1  }
0xa4: {  	s23 =	simm.s32 $0x1B8B  }
0xa5: {  	_ =	swait.ge [sflag:s23], $0x1  }
0xa6: {  	[sflag:s23] =	ssyncset.done $0x0  }
0xa7: {  	s25 =	simm.s32 $0x1B8E;
	s24 =	sld [smem:$0x3FFE];
	[sflag:s23] =	ssyncadd.s32 $0xFFFFFFFF  }
0xa8: {  	s26 =	simm.s32 $execute0_lowered;
	[smem:$0x3FD2] =	sst s25  }
0xa9: {  	s8 =	sshll.u32 s26, $0x1;
	_ =	strace $0x80000046;
	[dreg:$0x1] =	wrdreg $0xFFFFFFFF  }
0xaa: {  	s28 =	simm.s32 $_size_execute0_lowered;
	s6 =	sadd.s32 s6, s8;
	[dreg:$0x0] =	wrdreg $0x0  }
0xab: {  	s8 =	sshll.u32 s28, $0x1;
	[dreg:$0x2] =	wrdreg s6  }
0xac: {  	[dreg:$0x3] =	wrdreg s8  }
0xad: {  	[dreg:$0x4] =	wrdreg $0xC0  }
0xae: {  	_ =	task [dreg:s10], $0x5FFFF  }
0xaf: {  	[dreg:$0x1] =	wrdreg $0xFFFFFFFF  }
0xb0: {  	[dreg:$0x0] =	wrdreg $0x60  }
0xb1: {  	[dreg:$0x2] =	wrdreg s2  }
0xb2: {  	[dreg:$0x3] =	wrdreg s18  }
0xb3: {  	[dreg:$0x4] =	wrdreg s5  }
0xb4: {  	[dreg:$0x5] =	wrdreg s4  }
0xb5: {  	[dreg:$0x6] =	wrdreg s24  }
0xb6: {  	[dreg:$0x7] =	wrdreg $0x9  }
0xb7: {  	_ =	task.clear_ibuf [dreg:s10], $0x8FFFF;
	_ =	strace $0x90000046  }
0xb8: {  	s29 =	simm.s32 $0x9;
	_ =	strace $0x80000048  }
0xb9: {  	_ =	swait.ge [sflag:s29], $0x1  }
0xba: {  	[sflag:s29] =	ssyncadd.s32 $0xFFFFFFFF  }
0xbb: {  	_ =	strace $0x90000048  }
0xbc: {  	_ =	sfence  }
0xbd: {  	s30 =	sld [smem:$0x0];
	_ =	sdelay $0x2  }
0xbe: {  	s31 =	sshll.u32 s1, $0xD;
	s1 =	sshrl.u32 s1, $0x2  }
0xbf: {  	s3 =	sand.u32 $0x4000, s31;
	s1 =	sadd.s32 s1, s30  }
0xc0: {  	s0 =	sor.u32 s3, s0;
	s1 =	sshll.u32 s1, $0x11  }
0xc1: {  	s0 =	sor.u32 s1, s0  }
0xc2: {  	s0 =	sadd.s32 $0x8F2B, s0  }
0xc3: {  	[sflag:s0] =	ssyncadd.remote.s32 $0x1  }
0xc4: {  	_ =	sfence.sel $0xFFFF  }
0xc5: {  	[dreg:$0x0] =	wrdreg $0xFFFFFFFF;
	(pc) =	sbr.abs _section_cstart, $3  }
0xc6: {  	[dreg:$0x1] =	wrdreg $0xFFFFFFFF  }
0xc7: {  	_ =	task.clear_ibuf [dreg:s10], $0x2FFFF;
	_ =	strace $0x9FFFFFFF  }
0xc8: {  	(tm) =	ssettm $0x7FFFFFFF  }
0xc9: {  	_ =	shalt  }
tec
execute0_lowered:
.L_overlay_start_1:
0x0: {  	(tag) =	ssettag $0x1  }
0x1: {  	s5 =	rddreg [dreg:$0x0]  }
0x2: {  	s6 =	rddreg [dreg:$0x1]  }
0x3: {  	s1 =	rddreg [dreg:$0x2]  }
0x4: {  	s3 =	rddreg [dreg:$0x3]  }
0x5: {  	s7 =	rddreg [dreg:$0x4];
	s4 =	srdreg.scid  }
0x6: {  	s0 =	rddreg [dreg:$0x5];
	s2 =	stileid.u32  }
0x7: {  	s12 =	simm.s32 $0xE00;
	s13 =	simm.s32 $0x200;
	s14 =	simm.s32 $0x1000  }
0x8: {  	s15 =	simm.s32 $0x1200;
	s16 =	simm.s32 $0x1;
	s17 =	simm.s32 $0x11200  }
0x9: {  	s18 =	simm.s32 $0x0;
	s8 =	sand.u32 $0x1, s4;
	s4 =	simm.s32 $0x0  }
0xa: {  	s9 =	sshll.u32 s2, $0xA;
	s10 =	sshll.u32 s8, $0x9;
	[smem:$0x7FF] =	sst s4  }
0xb: {  	s8 =	ssub.s32 $0x2, s8;
	s9 =	sor.u32 s10, s9;
	_ =	strace $0x80000047  }
0xc: {  	s31 =	sshrl.u32 s8, $0x1;
	s10 =	sshll.u32 s9, $0x4;
	s9 =	sshrl.u32 s9, $0x3  }
0xd: {  	s11 =	ssub.s32 s8, s31;
	s10 =	sadd.s32 s10, s7;
	s5 =	sadd.s32 s5, s9  }
0xe: {  	s6 =	sadd.s32 s6, s9;
	s9 =	smax.u32 s11, $0x1;
	s11 =	simm.s32 $0x2  }
0xf: {  	s7 =	sadd.s32 $0x400, s10;
	s8 =	sadd.s32 $0x1400, s10;
	s10 =	simm.s32 $0xC00  }
.LBB2_1:
0x10: {  	[tilespmem:s10], [sflag:$0x2] =	stream.linear.gather [hbm4b:s5+s4], $0x200, $0x38;
	[tilespmem:$0x19200] =	vst v63  }
0x11: {  	_ =	swait.ge [sflag:s11], $0x200  }
0x12: {  	[sflag:s11] =	ssyncset.done $0x0  }
0x13: {  	[sflag:s11] =	ssyncadd.s32 $0xFFFFFE00  }
0x14: {  	[tilespmem:s12], [sflag:$0x2] =	stream.linear.gather [hbm4b:s6+s4], $0x200, $0x38;
	[tilespmem:$0x19200] =	vst v63  }
0x15: {  	_ =	swait.ge [sflag:s11], $0x200  }
0x16: {  	[sflag:s11] =	ssyncset.done $0x0  }
0x17: {  	[sflag:s11] =	ssyncadd.s32 $0xFFFFFE00  }
0x18: {  	[tilespmem:s4], [sflag:$0x2] =	stream.linear.gather [hbm4b:s1+s4], $0xC00, $0x38;
	[tilespmem:$0x19200] =	vst v63  }
0x19: {  	_ =	swait.ge [sflag:s11], $0xC00  }
0x1a: {  	[sflag:s11] =	ssyncset.done $0x0  }
0x1b: {  	s19 =	simm.s32 $0x0;
	[sflag:s11] =	ssyncadd.s32 $0xFFFFF400  }
0x1c: {  	s20 =	simm.s32 $0x40;
	v0 =	vld [tilespmem:s19+$0xE00]  }
.LBB2_2:
0x1d: {  	p0 =	sne.s32 s20, $0x7C0  }
.Ltmp0:
0x1e: {  	_ = 	snop;
	(pc) =	sbr.rel @p0 .LBB2_2-.Ltmp0, $3  }
0x1f: {  	_ =	sdelay $0x1  }
0x20: {  	s21 =	sshra.s32 s20, $0x2;
	s20 =	sadd.s32 $0x40, s20;
	v1 =	vshra.s32 v0, $0x3  }
0x21: {  	v0 =	vld [tilespmem:s21+$0xE00];
	[tilespmem:s19+$0x1000] =	vst v1;
	s19 =	smov.u32 s21  }
0x22: {  	_ =	sdelay $0x3  }
0x23: {  	v0 =	vshra.s32 v0, $0x3  }
0x24: {  	[tilespmem:s19+$0x1000] =	vst v0  }
0x25: {  	[tilespmem:s15], [sflag:$0x1] =	stream.indirect.gather [hbm4b:s3+s13], $0x80, s14, s13, $0xb8;
	[tilespmem:$0x19200] =	vst v63  }
0x26: {  	_ =	swait.ge [sflag:s16], $0x10000  }
0x27: {  	[sflag:s16] =	ssyncset.done $0x0  }
0x28: {  	s19 =	simm.s32 $0xC00;
	[sflag:s16] =	ssyncadd.s32 $0xFFFF0000  }
0x29: {  	v0 =	vld [tilespmem:s19+$0x0];
	_ =	sdelay $0x3  }
0x2a: {  	s20 =	simm.s32 $0xE00  }
0x2b: {  	v1 =	vld [tilespmem:s20+$0x0];
	v0 =	vshll.u32 v0, $0x9  }
0x2c: {  	v0 =	vshra.s32 v0, $0x2  }
0x2d: {  	(v2sf) =	vpush v0, $0x0;
	_ =	sdelay $0x2  }
0x2e: {  	v1 =	vshll.u32 v1, $0x4  }
0x2f: {  	s21 =	simm.s32 $0x0;
	v1 =	vand.u32 $0x70, v1  }
0x30: {  	v1 =	vadd.s32 s21, v1  }
0x31: {  	(v2sf) =	vpush v1, $0x0;
	_ =	sdelay $0x5  }
0x32: {  	(v2sf) =	vpush v0, $0x1;
	_ =	sdelay $0x2  }
0x33: {  	s22 =	spop (v2sf)  }
0x34: {  	v2 =	vld [tilespmem:s22+$0x0];
	_ =	sdelay $0x1  }
0x35: {  	(v2sf) =	vpush v1, $0x1;
	_ =	sdelay $0x2  }
0x36: {  	s25 =	spop (v2sf);
	[tilespmem:s21+$0x11200] =	vst v2  }
0x37: {  	v2 =	vld [tilespmem:s25+$0x1200];
	_ =	sdelay $0x1  }
0x38: {  	(v2sf) =	vpush v0, $0x2;
	_ =	sdelay $0x2  }
0x39: {  	s26 =	spop (v2sf);
	[tilespmem:s21+$0x11210] =	vst v2  }
0x3a: {  	v2 =	vld [tilespmem:s26+$0x0];
	_ =	sdelay $0x1  }
0x3b: {  	(v2sf) =	vpush v1, $0x2;
	_ =	sdelay $0x2  }
0x3c: {  	s28 =	spop (v2sf);
	[tilespmem:s21+$0x11280] =	vst v2  }
0x3d: {  	v2 =	vld [tilespmem:s28+$0x1280];
	_ =	sdelay $0x1  }
0x3e: {  	(v2sf) =	vpush v0, $0x3;
	_ =	sdelay $0x2  }
0x3f: {  	s29 =	spop (v2sf);
	[tilespmem:s21+$0x11290] =	vst v2  }
0x40: {  	v2 =	vld [tilespmem:s29+$0x0];
	_ =	sdelay $0x1  }
0x41: {  	(v2sf) =	vpush v1, $0x3;
	_ =	sdelay $0x2  }
0x42: {  	s30 =	spop (v2sf);
	[tilespmem:s21+$0x11300] =	vst v2  }
0x43: {  	v2 =	vld [tilespmem:s30+$0x1300];
	_ =	sdelay $0x1  }
0x44: {  	(v2sf) =	vpush v0, $0x4;
	_ =	sdelay $0x2  }
0x45: {  	s31 =	spop (v2sf);
	[tilespmem:s21+$0x11310] =	vst v2  }
0x46: {  	v2 =	vld [tilespmem:s31+$0x0];
	_ =	sdelay $0x1  }
0x47: {  	(v2sf) =	vpush v1, $0x4;
	_ =	sdelay $0x2  }
0x48: {  	s23 =	spop (v2sf);
	[tilespmem:s21+$0x11380] =	vst v2  }
0x49: {  	v2 =	vld [tilespmem:s23+$0x1380];
	_ =	sdelay $0x1  }
0x4a: {  	(v2sf) =	vpush v0, $0x5;
	_ =	sdelay $0x2  }
0x4b: {  	s24 =	spop (v2sf);
	[tilespmem:s21+$0x11390] =	vst v2  }
0x4c: {  	v2 =	vld [tilespmem:s24+$0x0];
	_ =	sdelay $0x1  }
0x4d: {  	(v2sf) =	vpush v1, $0x5;
	_ =	sdelay $0x2  }
0x4e: {  	s25 =	spop (v2sf);
	[tilespmem:s21+$0x11400] =	vst v2  }
0x4f: {  	v2 =	vld [tilespmem:s25+$0x1400];
	_ =	sdelay $0x1  }
0x50: {  	(v2sf) =	vpush v0, $0x6;
	_ =	sdelay $0x2  }
0x51: {  	s26 =	spop (v2sf);
	[tilespmem:s21+$0x11410] =	vst v2  }
0x52: {  	v2 =	vld [tilespmem:s26+$0x0];
	_ =	sdelay $0x1  }
0x53: {  	(v2sf) =	vpush v1, $0x6;
	_ =	sdelay $0x2  }
0x54: {  	s28 =	spop (v2sf);
	[tilespmem:s21+$0x11480] =	vst v2  }
0x55: {  	v2 =	vld [tilespmem:s28+$0x1480];
	_ =	sdelay $0x1  }
0x56: {  	(v2sf) =	vpush v0, $0x7;
	_ =	sdelay $0x2  }
0x57: {  	s29 =	spop (v2sf);
	[tilespmem:s21+$0x11490] =	vst v2  }
0x58: {  	v2 =	vld [tilespmem:s29+$0x0];
	_ =	sdelay $0x1  }
0x59: {  	(v2sf) =	vpush v1, $0x7;
	_ =	sdelay $0x2  }
0x5a: {  	s30 =	spop (v2sf);
	[tilespmem:s21+$0x11500] =	vst v2  }
0x5b: {  	v2 =	vld [tilespmem:s30+$0x1500];
	_ =	sdelay $0x1  }
0x5c: {  	(v2sf) =	vpush v0, $0x8;
	_ =	sdelay $0x2  }
0x5d: {  	s31 =	spop (v2sf);
	[tilespmem:s21+$0x11510] =	vst v2  }
0x5e: {  	v2 =	vld [tilespmem:s31+$0x0];
	_ =	sdelay $0x1  }
0x5f: {  	(v2sf) =	vpush v1, $0x8;
	_ =	sdelay $0x2  }
0x60: {  	s23 =	spop (v2sf);
	[tilespmem:s21+$0x11580] =	vst v2  }
0x61: {  	v2 =	vld [tilespmem:s23+$0x1580];
	_ =	sdelay $0x1  }
0x62: {  	(v2sf) =	vpush v0, $0x9;
	_ =	sdelay $0x2  }
0x63: {  	s24 =	spop (v2sf);
	[tilespmem:s21+$0x11590] =	vst v2  }
0x64: {  	v2 =	vld [tilespmem:s24+$0x0];
	_ =	sdelay $0x1  }
0x65: {  	(v2sf) =	vpush v1, $0x9;
	_ =	sdelay $0x2  }
0x66: {  	s25 =	spop (v2sf);
	[tilespmem:s21+$0x11600] =	vst v2  }
0x67: {  	v2 =	vld [tilespmem:s25+$0x1600];
	_ =	sdelay $0x1  }
0x68: {  	(v2sf) =	vpush v0, $0xA;
	_ =	sdelay $0x2  }
0x69: {  	s26 =	spop (v2sf);
	[tilespmem:s21+$0x11610] =	vst v2  }
0x6a: {  	v2 =	vld [tilespmem:s26+$0x0];
	_ =	sdelay $0x1  }
0x6b: {  	(v2sf) =	vpush v1, $0xA;
	_ =	sdelay $0x2  }
0x6c: {  	s28 =	spop (v2sf);
	[tilespmem:s21+$0x11680] =	vst v2  }
0x6d: {  	v2 =	vld [tilespmem:s28+$0x1680];
	_ =	sdelay $0x1  }
0x6e: {  	(v2sf) =	vpush v0, $0xB;
	_ =	sdelay $0x2  }
0x6f: {  	s29 =	spop (v2sf);
	[tilespmem:s21+$0x11690] =	vst v2  }
0x70: {  	v2 =	vld [tilespmem:s29+$0x0];
	_ =	sdelay $0x1  }
0x71: {  	(v2sf) =	vpush v1, $0xB;
	_ =	sdelay $0x2  }
0x72: {  	s30 =	spop (v2sf);
	[tilespmem:s21+$0x11700] =	vst v2  }
0x73: {  	v2 =	vld [tilespmem:s30+$0x1700];
	_ =	sdelay $0x1  }
0x74: {  	(v2sf) =	vpush v0, $0xC;
	_ =	sdelay $0x2  }
0x75: {  	s31 =	spop (v2sf);
	[tilespmem:s21+$0x11710] =	vst v2  }
0x76: {  	v2 =	vld [tilespmem:s31+$0x0];
	_ =	sdelay $0x1  }
0x77: {  	(v2sf) =	vpush v1, $0xC;
	_ =	sdelay $0x2  }
0x78: {  	s23 =	spop (v2sf);
	[tilespmem:s21+$0x11780] =	vst v2  }
0x79: {  	v2 =	vld [tilespmem:s23+$0x1780];
	_ =	sdelay $0x1  }
0x7a: {  	(v2sf) =	vpush v0, $0xD;
	_ =	sdelay $0x2  }
0x7b: {  	s24 =	spop (v2sf);
	[tilespmem:s21+$0x11790] =	vst v2  }
0x7c: {  	v2 =	vld [tilespmem:s24+$0x0];
	_ =	sdelay $0x1  }
0x7d: {  	(v2sf) =	vpush v1, $0xD;
	_ =	sdelay $0x2  }
0x7e: {  	s25 =	spop (v2sf);
	[tilespmem:s21+$0x11800] =	vst v2  }
0x7f: {  	v2 =	vld [tilespmem:s25+$0x1800];
	_ =	sdelay $0x1  }
0x80: {  	(v2sf) =	vpush v0, $0xE;
	_ =	sdelay $0x2  }
0x81: {  	s26 =	spop (v2sf);
	[tilespmem:s21+$0x11810] =	vst v2  }
0x82: {  	v2 =	vld [tilespmem:s26+$0x0];
	_ =	sdelay $0x1  }
0x83: {  	(v2sf) =	vpush v1, $0xE;
	_ =	sdelay $0x2  }
0x84: {  	s28 =	spop (v2sf);
	[tilespmem:s21+$0x11880] =	vst v2  }
0x85: {  	v2 =	vld [tilespmem:s28+$0x1880];
	_ =	sdelay $0x1  }
0x86: {  	(v2sf) =	vpush v0, $0xF;
	_ =	sdelay $0x2  }
0x87: {  	s29 =	spop (v2sf);
	[tilespmem:s21+$0x11890] =	vst v2  }
0x88: {  	v0 =	vld [tilespmem:s29+$0x0];
	_ =	sdelay $0x1  }
0x89: {  	(v2sf) =	vpush v1, $0xF;
	_ =	sdelay $0x2  }
0x8a: {  	s30 =	spop (v2sf);
	[tilespmem:s21+$0x11900] =	vst v0  }
0x8b: {  	v0 =	vld [tilespmem:s30+$0x1900];
	_ =	sdelay $0x4  }
0x8c: {  	s31 =	spop (v2sf);
	[tilespmem:s21+$0x11910] =	vst v0  }
0x8d: {  	v0 =	vld [tilespmem:s31+$0x0];
	_ =	sdelay $0x4  }
0x8e: {  	s23 =	spop (v2sf);
	[tilespmem:s21+$0x11980] =	vst v0  }
0x8f: {  	s22 =	simm.s32 $0x2000;
	v0 =	vld [tilespmem:s23+$0x1980]  }
.LBB2_4:
0x90: {  	_ =	sdelay $0x3  }
0x91: {  	p0 =	sne.s32 s22, $0x1E000;
	s20 =	sadd.s32 $0x10, s20;
	s19 =	sadd.s32 $0x10, s19;
	[tilespmem:s21+$0x11990] =	vst v0  }
0x92: {  	s21 =	smov.u32 s22;
	s22 =	sadd.s32 $0x2000, s22;
	v0 =	vld [tilespmem:s19+$0x0];
	_ =	sdelay $0x4  }
0x93: {  	v1 =	vld [tilespmem:s20+$0x0];
	v0 =	vshll.u32 v0, $0x9  }
0x94: {  	v0 =	vshra.s32 v0, $0x2  }
0x95: {  	(v2sf) =	vpush v0, $0x0;
	_ =	sdelay $0x2  }
0x96: {  	v1 =	vshll.u32 v1, $0x4  }
0x97: {  	s21 =	sshra.s32 s21, $0x2;
	v1 =	vand.u32 $0x70, v1  }
0x98: {  	v1 =	vadd.s32 s21, v1  }
0x99: {  	(v2sf) =	vpush v1, $0x0;
	_ =	sdelay $0x5  }
0x9a: {  	(v2sf) =	vpush v0, $0x1;
	_ =	sdelay $0x2  }
0x9b: {  	s23 =	spop (v2sf)  }
0x9c: {  	v2 =	vld [tilespmem:s23+$0x0];
	_ =	sdelay $0x1  }
0x9d: {  	(v2sf) =	vpush v1, $0x1;
	_ =	sdelay $0x2  }
0x9e: {  	[tilespmem:s21+$0x11200] =	vst v2;
	s23 =	spop (v2sf)  }
0x9f: {  	v2 =	vld [tilespmem:s23+$0x1200];
	_ =	sdelay $0x1  }
0xa0: {  	(v2sf) =	vpush v0, $0x2;
	_ =	sdelay $0x2  }
0xa1: {  	[tilespmem:s21+$0x11210] =	vst v2;
	s23 =	spop (v2sf)  }
0xa2: {  	v2 =	vld [tilespmem:s23+$0x0];
	_ =	sdelay $0x1  }
0xa3: {  	(v2sf) =	vpush v1, $0x2;
	_ =	sdelay $0x2  }
0xa4: {  	[tilespmem:s21+$0x11280] =	vst v2;
	s23 =	spop (v2sf)  }
0xa5: {  	v2 =	vld [tilespmem:s23+$0x1280];
	_ =	sdelay $0x1  }
0xa6: {  	(v2sf) =	vpush v0, $0x3;
	_ =	sdelay $0x2  }
0xa7: {  	[tilespmem:s21+$0x11290] =	vst v2;
	s23 =	spop (v2sf)  }
0xa8: {  	v2 =	vld [tilespmem:s23+$0x0];
	_ =	sdelay $0x1  }
0xa9: {  	(v2sf) =	vpush v1, $0x3;
	_ =	sdelay $0x2  }
0xaa: {  	[tilespmem:s21+$0x11300] =	vst v2;
	s23 =	spop (v2sf)  }
0xab: {  	v2 =	vld [tilespmem:s23+$0x1300];
	_ =	sdelay $0x1  }
0xac: {  	(v2sf) =	vpush v0, $0x4;
	_ =	sdelay $0x2  }
0xad: {  	[tilespmem:s21+$0x11310] =	vst v2;
	s23 =	spop (v2sf)  }
0xae: {  	v2 =	vld [tilespmem:s23+$0x0];
	_ =	sdelay $0x1  }
0xaf: {  	(v2sf) =	vpush v1, $0x4;
	_ =	sdelay $0x2  }
0xb0: {  	[tilespmem:s21+$0x11380] =	vst v2;
	s23 =	spop (v2sf)  }
0xb1: {  	v2 =	vld [tilespmem:s23+$0x1380];
	_ =	sdelay $0x1  }
0xb2: {  	(v2sf) =	vpush v0, $0x5;
	_ =	sdelay $0x2  }
0xb3: {  	[tilespmem:s21+$0x11390] =	vst v2;
	s23 =	spop (v2sf)  }
0xb4: {  	v2 =	vld [tilespmem:s23+$0x0];
	_ =	sdelay $0x1  }
0xb5: {  	(v2sf) =	vpush v1, $0x5;
	_ =	sdelay $0x2  }
0xb6: {  	[tilespmem:s21+$0x11400] =	vst v2;
	s23 =	spop (v2sf)  }
0xb7: {  	v2 =	vld [tilespmem:s23+$0x1400];
	_ =	sdelay $0x1  }
0xb8: {  	(v2sf) =	vpush v0, $0x6;
	_ =	sdelay $0x2  }
0xb9: {  	[tilespmem:s21+$0x11410] =	vst v2;
	s23 =	spop (v2sf)  }
0xba: {  	v2 =	vld [tilespmem:s23+$0x0];
	_ =	sdelay $0x1  }
0xbb: {  	(v2sf) =	vpush v1, $0x6;
	_ =	sdelay $0x2  }
0xbc: {  	[tilespmem:s21+$0x11480] =	vst v2;
	s23 =	spop (v2sf)  }
0xbd: {  	v2 =	vld [tilespmem:s23+$0x1480];
	_ =	sdelay $0x1  }
0xbe: {  	(v2sf) =	vpush v0, $0x7;
	_ =	sdelay $0x2  }
0xbf: {  	[tilespmem:s21+$0x11490] =	vst v2;
	s23 =	spop (v2sf)  }
0xc0: {  	v2 =	vld [tilespmem:s23+$0x0];
	_ =	sdelay $0x1  }
0xc1: {  	(v2sf) =	vpush v1, $0x7;
	_ =	sdelay $0x2  }
0xc2: {  	[tilespmem:s21+$0x11500] =	vst v2;
	s23 =	spop (v2sf)  }
0xc3: {  	v2 =	vld [tilespmem:s23+$0x1500];
	_ =	sdelay $0x1  }
0xc4: {  	(v2sf) =	vpush v0, $0x8;
	_ =	sdelay $0x2  }
0xc5: {  	[tilespmem:s21+$0x11510] =	vst v2;
	s23 =	spop (v2sf)  }
0xc6: {  	v2 =	vld [tilespmem:s23+$0x0];
	_ =	sdelay $0x1  }
0xc7: {  	(v2sf) =	vpush v1, $0x8;
	_ =	sdelay $0x2  }
0xc8: {  	[tilespmem:s21+$0x11580] =	vst v2;
	s23 =	spop (v2sf)  }
0xc9: {  	v2 =	vld [tilespmem:s23+$0x1580];
	_ =	sdelay $0x1  }
0xca: {  	(v2sf) =	vpush v0, $0x9;
	_ =	sdelay $0x2  }
0xcb: {  	[tilespmem:s21+$0x11590] =	vst v2;
	s23 =	spop (v2sf)  }
0xcc: {  	v2 =	vld [tilespmem:s23+$0x0];
	_ =	sdelay $0x1  }
0xcd: {  	(v2sf) =	vpush v1, $0x9;
	_ =	sdelay $0x2  }
0xce: {  	[tilespmem:s21+$0x11600] =	vst v2;
	s23 =	spop (v2sf)  }
0xcf: {  	v2 =	vld [tilespmem:s23+$0x1600];
	_ =	sdelay $0x1  }
0xd0: {  	(v2sf) =	vpush v0, $0xA;
	_ =	sdelay $0x2  }
0xd1: {  	[tilespmem:s21+$0x11610] =	vst v2;
	s23 =	spop (v2sf)  }
0xd2: {  	v2 =	vld [tilespmem:s23+$0x0];
	_ =	sdelay $0x1  }
0xd3: {  	(v2sf) =	vpush v1, $0xA;
	_ =	sdelay $0x2  }
0xd4: {  	[tilespmem:s21+$0x11680] =	vst v2;
	s23 =	spop (v2sf)  }
0xd5: {  	v2 =	vld [tilespmem:s23+$0x1680];
	_ =	sdelay $0x1  }
0xd6: {  	(v2sf) =	vpush v0, $0xB;
	_ =	sdelay $0x2  }
0xd7: {  	[tilespmem:s21+$0x11690] =	vst v2;
	s23 =	spop (v2sf)  }
0xd8: {  	v2 =	vld [tilespmem:s23+$0x0];
	_ =	sdelay $0x1  }
0xd9: {  	(v2sf) =	vpush v1, $0xB;
	_ =	sdelay $0x2  }
0xda: {  	[tilespmem:s21+$0x11700] =	vst v2;
	s23 =	spop (v2sf)  }
0xdb: {  	v2 =	vld [tilespmem:s23+$0x1700];
	_ =	sdelay $0x1  }
0xdc: {  	(v2sf) =	vpush v0, $0xC;
	_ =	sdelay $0x2  }
0xdd: {  	[tilespmem:s21+$0x11710] =	vst v2;
	s23 =	spop (v2sf)  }
0xde: {  	v2 =	vld [tilespmem:s23+$0x0];
	_ =	sdelay $0x1  }
0xdf: {  	(v2sf) =	vpush v1, $0xC;
	_ =	sdelay $0x2  }
0xe0: {  	[tilespmem:s21+$0x11780] =	vst v2;
	s23 =	spop (v2sf)  }
0xe1: {  	v2 =	vld [tilespmem:s23+$0x1780];
	_ =	sdelay $0x1  }
0xe2: {  	(v2sf) =	vpush v0, $0xD;
	_ =	sdelay $0x2  }
0xe3: {  	[tilespmem:s21+$0x11790] =	vst v2;
	s23 =	spop (v2sf)  }
0xe4: {  	v2 =	vld [tilespmem:s23+$0x0];
	_ =	sdelay $0x1  }
0xe5: {  	(v2sf) =	vpush v1, $0xD;
	_ =	sdelay $0x2  }
0xe6: {  	[tilespmem:s21+$0x11800] =	vst v2;
	s23 =	spop (v2sf)  }
0xe7: {  	v2 =	vld [tilespmem:s23+$0x1800];
	_ =	sdelay $0x1  }
0xe8: {  	(v2sf) =	vpush v0, $0xE;
	_ =	sdelay $0x2  }
0xe9: {  	[tilespmem:s21+$0x11810] =	vst v2;
	s23 =	spop (v2sf)  }
0xea: {  	v2 =	vld [tilespmem:s23+$0x0];
	_ =	sdelay $0x1  }
0xeb: {  	(v2sf) =	vpush v1, $0xE;
	_ =	sdelay $0x2  }
0xec: {  	[tilespmem:s21+$0x11880] =	vst v2;
	s23 =	spop (v2sf)  }
0xed: {  	v2 =	vld [tilespmem:s23+$0x1880];
	_ =	sdelay $0x1  }
0xee: {  	(v2sf) =	vpush v0, $0xF;
	_ =	sdelay $0x2  }
0xef: {  	[tilespmem:s21+$0x11890] =	vst v2;
	s23 =	spop (v2sf)  }
0xf0: {  	v0 =	vld [tilespmem:s23+$0x0];
	_ =	sdelay $0x1  }
0xf1: {  	(v2sf) =	vpush v1, $0xF;
	_ =	sdelay $0x2  }
0xf2: {  	[tilespmem:s21+$0x11900] =	vst v0;
	s23 =	spop (v2sf)  }
0xf3: {  	v0 =	vld [tilespmem:s23+$0x1900];
	_ =	sdelay $0x4  }
0xf4: {  	[tilespmem:s21+$0x11910] =	vst v0;
	s23 =	spop (v2sf)  }
0xf5: {  	v0 =	vld [tilespmem:s23+$0x0];
	_ =	sdelay $0x1  }
.Ltmp1:
0xf6: {  	(pc) =	sbr.rel @p0 .LBB2_4-.Ltmp1, $3  }
0xf7: {  	_ =	sdelay $0x1  }
0xf8: {  	[tilespmem:s21+$0x11980] =	vst v0;
	s23 =	spop (v2sf)  }
0xf9: {  	v0 =	vld [tilespmem:s23+$0x1980]  }
0xfa: {  	_ =	sdelay $0x3  }
0xfb: {  	s19 =	simm.s32 $0x0;
	[tilespmem:s21+$0x11990] =	vst v0  }
0xfc: {  	[hbm4b:s7+s19] =	stream.linear.scatter [tilespmem:s17], [sflag:$0x2], $0x8000, $0x38;
	[tilespmem:$0x19200] =	vst v63  }
0xfd: {  	_ =	swait.ge [sflag:s11], $0x8000  }
0xfe: {  	[sflag:s11] =	ssyncset.done $0x0  }
0xff: {  	s19 =	simm.s32 $0xD00;
	[sflag:s11] =	ssyncadd.s32 $0xFFFF8000  }
0x100: {  	v0 =	vld [tilespmem:s19+$0x0];
	_ =	sdelay $0x3  }
0x101: {  	s20 =	simm.s32 $0xF00  }
0x102: {  	v1 =	vld [tilespmem:s20+$0x0];
	v0 =	vshll.u32 v0, $0x9  }
0x103: {  	v0 =	vshra.s32 v0, $0x2  }
0x104: {  	(v2sf) =	vpush v0, $0x0;
	_ =	sdelay $0x2  }
0x105: {  	v1 =	vshll.u32 v1, $0x4  }
0x106: {  	s21 =	simm.s32 $0x0;
	v1 =	vand.u32 $0x70, v1  }
0x107: {  	v1 =	vadd.s32 s21, v1  }
0x108: {  	(v2sf) =	vpush v1, $0x0;
	_ =	sdelay $0x5  }
0x109: {  	(v2sf) =	vpush v0, $0x1;
	_ =	sdelay $0x2  }
0x10a: {  	s22 =	spop (v2sf)  }
0x10b: {  	v2 =	vld [tilespmem:s22+$0x0];
	_ =	sdelay $0x1  }
0x10c: {  	(v2sf) =	vpush v1, $0x1;
	_ =	sdelay $0x2  }
0x10d: {  	s25 =	spop (v2sf);
	[tilespmem:s21+$0x11200] =	vst v2  }
0x10e: {  	v2 =	vld [tilespmem:s25+$0x9200];
	_ =	sdelay $0x1  }
0x10f: {  	(v2sf) =	vpush v0, $0x2;
	_ =	sdelay $0x2  }
0x110: {  	s26 =	spop (v2sf);
	[tilespmem:s21+$0x11210] =	vst v2  }
0x111: {  	v2 =	vld [tilespmem:s26+$0x0];
	_ =	sdelay $0x1  }
0x112: {  	(v2sf) =	vpush v1, $0x2;
	_ =	sdelay $0x2  }
0x113: {  	s28 =	spop (v2sf);
	[tilespmem:s21+$0x11280] =	vst v2  }
0x114: {  	v2 =	vld [tilespmem:s28+$0x9280];
	_ =	sdelay $0x1  }
0x115: {  	(v2sf) =	vpush v0, $0x3;
	_ =	sdelay $0x2  }
0x116: {  	s29 =	spop (v2sf);
	[tilespmem:s21+$0x11290] =	vst v2  }
0x117: {  	v2 =	vld [tilespmem:s29+$0x0];
	_ =	sdelay $0x1  }
0x118: {  	(v2sf) =	vpush v1, $0x3;
	_ =	sdelay $0x2  }
0x119: {  	s30 =	spop (v2sf);
	[tilespmem:s21+$0x11300] =	vst v2  }
0x11a: {  	v2 =	vld [tilespmem:s30+$0x9300];
	_ =	sdelay $0x1  }
0x11b: {  	(v2sf) =	vpush v0, $0x4;
	_ =	sdelay $0x2  }
0x11c: {  	s31 =	spop (v2sf);
	[tilespmem:s21+$0x11310] =	vst v2  }
0x11d: {  	v2 =	vld [tilespmem:s31+$0x0];
	_ =	sdelay $0x1  }
0x11e: {  	(v2sf) =	vpush v1, $0x4;
	_ =	sdelay $0x2  }
0x11f: {  	s23 =	spop (v2sf);
	[tilespmem:s21+$0x11380] =	vst v2  }
0x120: {  	v2 =	vld [tilespmem:s23+$0x9380];
	_ =	sdelay $0x1  }
0x121: {  	(v2sf) =	vpush v0, $0x5;
	_ =	sdelay $0x2  }
0x122: {  	s24 =	spop (v2sf);
	[tilespmem:s21+$0x11390] =	vst v2  }
0x123: {  	v2 =	vld [tilespmem:s24+$0x0];
	_ =	sdelay $0x1  }
0x124: {  	(v2sf) =	vpush v1, $0x5;
	_ =	sdelay $0x2  }
0x125: {  	s25 =	spop (v2sf);
	[tilespmem:s21+$0x11400] =	vst v2  }
0x126: {  	v2 =	vld [tilespmem:s25+$0x9400];
	_ =	sdelay $0x1  }
0x127: {  	(v2sf) =	vpush v0, $0x6;
	_ =	sdelay $0x2  }
0x128: {  	s26 =	spop (v2sf);
	[tilespmem:s21+$0x11410] =	vst v2  }
0x129: {  	v2 =	vld [tilespmem:s26+$0x0];
	_ =	sdelay $0x1  }
0x12a: {  	(v2sf) =	vpush v1, $0x6;
	_ =	sdelay $0x2  }
0x12b: {  	s28 =	spop (v2sf);
	[tilespmem:s21+$0x11480] =	vst v2  }
0x12c: {  	v2 =	vld [tilespmem:s28+$0x9480];
	_ =	sdelay $0x1  }
0x12d: {  	(v2sf) =	vpush v0, $0x7;
	_ =	sdelay $0x2  }
0x12e: {  	s29 =	spop (v2sf);
	[tilespmem:s21+$0x11490] =	vst v2  }
0x12f: {  	v2 =	vld [tilespmem:s29+$0x0];
	_ =	sdelay $0x1  }
0x130: {  	(v2sf) =	vpush v1, $0x7;
	_ =	sdelay $0x2  }
0x131: {  	s30 =	spop (v2sf);
	[tilespmem:s21+$0x11500] =	vst v2  }
0x132: {  	v2 =	vld [tilespmem:s30+$0x9500];
	_ =	sdelay $0x1  }
0x133: {  	(v2sf) =	vpush v0, $0x8;
	_ =	sdelay $0x2  }
0x134: {  	s31 =	spop (v2sf);
	[tilespmem:s21+$0x11510] =	vst v2  }
0x135: {  	v2 =	vld [tilespmem:s31+$0x0];
	_ =	sdelay $0x1  }
0x136: {  	(v2sf) =	vpush v1, $0x8;
	_ =	sdelay $0x2  }
0x137: {  	s23 =	spop (v2sf);
	[tilespmem:s21+$0x11580] =	vst v2  }
0x138: {  	v2 =	vld [tilespmem:s23+$0x9580];
	_ =	sdelay $0x1  }
0x139: {  	(v2sf) =	vpush v0, $0x9;
	_ =	sdelay $0x2  }
0x13a: {  	s24 =	spop (v2sf);
	[tilespmem:s21+$0x11590] =	vst v2  }
0x13b: {  	v2 =	vld [tilespmem:s24+$0x0];
	_ =	sdelay $0x1  }
0x13c: {  	(v2sf) =	vpush v1, $0x9;
	_ =	sdelay $0x2  }
0x13d: {  	s25 =	spop (v2sf);
	[tilespmem:s21+$0x11600] =	vst v2  }
0x13e: {  	v2 =	vld [tilespmem:s25+$0x9600];
	_ =	sdelay $0x1  }
0x13f: {  	(v2sf) =	vpush v0, $0xA;
	_ =	sdelay $0x2  }
0x140: {  	s26 =	spop (v2sf);
	[tilespmem:s21+$0x11610] =	vst v2  }
0x141: {  	v2 =	vld [tilespmem:s26+$0x0];
	_ =	sdelay $0x1  }
0x142: {  	(v2sf) =	vpush v1, $0xA;
	_ =	sdelay $0x2  }
0x143: {  	s28 =	spop (v2sf);
	[tilespmem:s21+$0x11680] =	vst v2  }
0x144: {  	v2 =	vld [tilespmem:s28+$0x9680];
	_ =	sdelay $0x1  }
0x145: {  	(v2sf) =	vpush v0, $0xB;
	_ =	sdelay $0x2  }
0x146: {  	s29 =	spop (v2sf);
	[tilespmem:s21+$0x11690] =	vst v2  }
0x147: {  	v2 =	vld [tilespmem:s29+$0x0];
	_ =	sdelay $0x1  }
0x148: {  	(v2sf) =	vpush v1, $0xB;
	_ =	sdelay $0x2  }
0x149: {  	s30 =	spop (v2sf);
	[tilespmem:s21+$0x11700] =	vst v2  }
0x14a: {  	v2 =	vld [tilespmem:s30+$0x9700];
	_ =	sdelay $0x1  }
0x14b: {  	(v2sf) =	vpush v0, $0xC;
	_ =	sdelay $0x2  }
0x14c: {  	s31 =	spop (v2sf);
	[tilespmem:s21+$0x11710] =	vst v2  }
0x14d: {  	v2 =	vld [tilespmem:s31+$0x0];
	_ =	sdelay $0x1  }
0x14e: {  	(v2sf) =	vpush v1, $0xC;
	_ =	sdelay $0x2  }
0x14f: {  	s23 =	spop (v2sf);
	[tilespmem:s21+$0x11780] =	vst v2  }
0x150: {  	v2 =	vld [tilespmem:s23+$0x9780];
	_ =	sdelay $0x1  }
0x151: {  	(v2sf) =	vpush v0, $0xD;
	_ =	sdelay $0x2  }
0x152: {  	s24 =	spop (v2sf);
	[tilespmem:s21+$0x11790] =	vst v2  }
0x153: {  	v2 =	vld [tilespmem:s24+$0x0];
	_ =	sdelay $0x1  }
0x154: {  	(v2sf) =	vpush v1, $0xD;
	_ =	sdelay $0x2  }
0x155: {  	s25 =	spop (v2sf);
	[tilespmem:s21+$0x11800] =	vst v2  }
0x156: {  	v2 =	vld [tilespmem:s25+$0x9800];
	_ =	sdelay $0x1  }
0x157: {  	(v2sf) =	vpush v0, $0xE;
	_ =	sdelay $0x2  }
0x158: {  	s26 =	spop (v2sf);
	[tilespmem:s21+$0x11810] =	vst v2  }
0x159: {  	v2 =	vld [tilespmem:s26+$0x0];
	_ =	sdelay $0x1  }
0x15a: {  	(v2sf) =	vpush v1, $0xE;
	_ =	sdelay $0x2  }
0x15b: {  	s28 =	spop (v2sf);
	[tilespmem:s21+$0x11880] =	vst v2  }
0x15c: {  	v2 =	vld [tilespmem:s28+$0x9880];
	_ =	sdelay $0x1  }
0x15d: {  	(v2sf) =	vpush v0, $0xF;
	_ =	sdelay $0x2  }
0x15e: {  	s29 =	spop (v2sf);
	[tilespmem:s21+$0x11890] =	vst v2  }
0x15f: {  	v0 =	vld [tilespmem:s29+$0x0];
	_ =	sdelay $0x1  }
0x160: {  	(v2sf) =	vpush v1, $0xF;
	_ =	sdelay $0x2  }
0x161: {  	s30 =	spop (v2sf);
	[tilespmem:s21+$0x11900] =	vst v0  }
0x162: {  	v0 =	vld [tilespmem:s30+$0x9900];
	_ =	sdelay $0x4  }
0x163: {  	s31 =	spop (v2sf);
	[tilespmem:s21+$0x11910] =	vst v0  }
0x164: {  	v0 =	vld [tilespmem:s31+$0x0];
	_ =	sdelay $0x4  }
0x165: {  	s23 =	spop (v2sf);
	[tilespmem:s21+$0x11980] =	vst v0  }
0x166: {  	s22 =	simm.s32 $0x2000;
	v0 =	vld [tilespmem:s23+$0x9980]  }
.LBB2_6:
0x167: {  	_ =	sdelay $0x3  }
0x168: {  	p0 =	sne.s32 s22, $0x1E000;
	s20 =	sadd.s32 $0x10, s20;
	s19 =	sadd.s32 $0x10, s19;
	[tilespmem:s21+$0x11990] =	vst v0  }
0x169: {  	s21 =	smov.u32 s22;
	s22 =	sadd.s32 $0x2000, s22;
	v0 =	vld [tilespmem:s19+$0x0];
	_ =	sdelay $0x4  }
0x16a: {  	v1 =	vld [tilespmem:s20+$0x0];
	v0 =	vshll.u32 v0, $0x9  }
0x16b: {  	v0 =	vshra.s32 v0, $0x2  }
0x16c: {  	(v2sf) =	vpush v0, $0x0;
	_ =	sdelay $0x2  }
0x16d: {  	v1 =	vshll.u32 v1, $0x4  }
0x16e: {  	s21 =	sshra.s32 s21, $0x2;
	v1 =	vand.u32 $0x70, v1  }
0x16f: {  	v1 =	vadd.s32 s21, v1  }
0x170: {  	(v2sf) =	vpush v1, $0x0;
	_ =	sdelay $0x5  }
0x171: {  	(v2sf) =	vpush v0, $0x1;
	_ =	sdelay $0x2  }
0x172: {  	s23 =	spop (v2sf)  }
0x173: {  	v2 =	vld [tilespmem:s23+$0x0];
	_ =	sdelay $0x1  }
0x174: {  	(v2sf) =	vpush v1, $0x1;
	_ =	sdelay $0x2  }
0x175: {  	[tilespmem:s21+$0x11200] =	vst v2;
	s23 =	spop (v2sf)  }
0x176: {  	v2 =	vld [tilespmem:s23+$0x9200];
	_ =	sdelay $0x1  }
0x177: {  	(v2sf) =	vpush v0, $0x2;
	_ =	sdelay $0x2  }
0x178: {  	[tilespmem:s21+$0x11210] =	vst v2;
	s23 =	spop (v2sf)  }
0x179: {  	v2 =	vld [tilespmem:s23+$0x0];
	_ =	sdelay $0x1  }
0x17a: {  	(v2sf) =	vpush v1, $0x2;
	_ =	sdelay $0x2  }
0x17b: {  	[tilespmem:s21+$0x11280] =	vst v2;
	s23 =	spop (v2sf)  }
0x17c: {  	v2 =	vld [tilespmem:s23+$0x9280];
	_ =	sdelay $0x1  }
0x17d: {  	(v2sf) =	vpush v0, $0x3;
	_ =	sdelay $0x2  }
0x17e: {  	[tilespmem:s21+$0x11290] =	vst v2;
	s23 =	spop (v2sf)  }
0x17f: {  	v2 =	vld [tilespmem:s23+$0x0];
	_ =	sdelay $0x1  }
0x180: {  	(v2sf) =	vpush v1, $0x3;
	_ =	sdelay $0x2  }
0x181: {  	[tilespmem:s21+$0x11300] =	vst v2;
	s23 =	spop (v2sf)  }
0x182: {  	v2 =	vld [tilespmem:s23+$0x9300];
	_ =	sdelay $0x1  }
0x183: {  	(v2sf) =	vpush v0, $0x4;
	_ =	sdelay $0x2  }
0x184: {  	[tilespmem:s21+$0x11310] =	vst v2;
	s23 =	spop (v2sf)  }
0x185: {  	v2 =	vld [tilespmem:s23+$0x0];
	_ =	sdelay $0x1  }
0x186: {  	(v2sf) =	vpush v1, $0x4;
	_ =	sdelay $0x2  }
0x187: {  	[tilespmem:s21+$0x11380] =	vst v2;
	s23 =	spop (v2sf)  }
0x188: {  	v2 =	vld [tilespmem:s23+$0x9380];
	_ =	sdelay $0x1  }
0x189: {  	(v2sf) =	vpush v0, $0x5;
	_ =	sdelay $0x2  }
0x18a: {  	[tilespmem:s21+$0x11390] =	vst v2;
	s23 =	spop (v2sf)  }
0x18b: {  	v2 =	vld [tilespmem:s23+$0x0];
	_ =	sdelay $0x1  }
0x18c: {  	(v2sf) =	vpush v1, $0x5;
	_ =	sdelay $0x2  }
0x18d: {  	[tilespmem:s21+$0x11400] =	vst v2;
	s23 =	spop (v2sf)  }
0x18e: {  	v2 =	vld [tilespmem:s23+$0x9400];
	_ =	sdelay $0x1  }
0x18f: {  	(v2sf) =	vpush v0, $0x6;
	_ =	sdelay $0x2  }
0x190: {  	[tilespmem:s21+$0x11410] =	vst v2;
	s23 =	spop (v2sf)  }
0x191: {  	v2 =	vld [tilespmem:s23+$0x0];
	_ =	sdelay $0x1  }
0x192: {  	(v2sf) =	vpush v1, $0x6;
	_ =	sdelay $0x2  }
0x193: {  	[tilespmem:s21+$0x11480] =	vst v2;
	s23 =	spop (v2sf)  }
0x194: {  	v2 =	vld [tilespmem:s23+$0x9480];
	_ =	sdelay $0x1  }
0x195: {  	(v2sf) =	vpush v0, $0x7;
	_ =	sdelay $0x2  }
0x196: {  	[tilespmem:s21+$0x11490] =	vst v2;
	s23 =	spop (v2sf)  }
0x197: {  	v2 =	vld [tilespmem:s23+$0x0];
	_ =	sdelay $0x1  }
0x198: {  	(v2sf) =	vpush v1, $0x7;
	_ =	sdelay $0x2  }
0x199: {  	[tilespmem:s21+$0x11500] =	vst v2;
	s23 =	spop (v2sf)  }
0x19a: {  	v2 =	vld [tilespmem:s23+$0x9500];
	_ =	sdelay $0x1  }
0x19b: {  	(v2sf) =	vpush v0, $0x8;
	_ =	sdelay $0x2  }
0x19c: {  	[tilespmem:s21+$0x11510] =	vst v2;
	s23 =	spop (v2sf)  }
0x19d: {  	v2 =	vld [tilespmem:s23+$0x0];
	_ =	sdelay $0x1  }
0x19e: {  	(v2sf) =	vpush v1, $0x8;
	_ =	sdelay $0x2  }
0x19f: {  	[tilespmem:s21+$0x11580] =	vst v2;
	s23 =	spop (v2sf)  }
0x1a0: {  	v2 =	vld [tilespmem:s23+$0x9580];
	_ =	sdelay $0x1  }
0x1a1: {  	(v2sf) =	vpush v0, $0x9;
	_ =	sdelay $0x2  }
0x1a2: {  	[tilespmem:s21+$0x11590] =	vst v2;
	s23 =	spop (v2sf)  }
0x1a3: {  	v2 =	vld [tilespmem:s23+$0x0];
	_ =	sdelay $0x1  }
0x1a4: {  	(v2sf) =	vpush v1, $0x9;
	_ =	sdelay $0x2  }
0x1a5: {  	[tilespmem:s21+$0x11600] =	vst v2;
	s23 =	spop (v2sf)  }
0x1a6: {  	v2 =	vld [tilespmem:s23+$0x9600];
	_ =	sdelay $0x1  }
0x1a7: {  	(v2sf) =	vpush v0, $0xA;
	_ =	sdelay $0x2  }
0x1a8: {  	[tilespmem:s21+$0x11610] =	vst v2;
	s23 =	spop (v2sf)  }
0x1a9: {  	v2 =	vld [tilespmem:s23+$0x0];
	_ =	sdelay $0x1  }
0x1aa: {  	(v2sf) =	vpush v1, $0xA;
	_ =	sdelay $0x2  }
0x1ab: {  	[tilespmem:s21+$0x11680] =	vst v2;
	s23 =	spop (v2sf)  }
0x1ac: {  	v2 =	vld [tilespmem:s23+$0x9680];
	_ =	sdelay $0x1  }
0x1ad: {  	(v2sf) =	vpush v0, $0xB;
	_ =	sdelay $0x2  }
0x1ae: {  	[tilespmem:s21+$0x11690] =	vst v2;
	s23 =	spop (v2sf)  }
0x1af: {  	v2 =	vld [tilespmem:s23+$0x0];
	_ =	sdelay $0x1  }
0x1b0: {  	(v2sf) =	vpush v1, $0xB;
	_ =	sdelay $0x2  }
0x1b1: {  	[tilespmem:s21+$0x11700] =	vst v2;
	s23 =	spop (v2sf)  }
0x1b2: {  	v2 =	vld [tilespmem:s23+$0x9700];
	_ =	sdelay $0x1  }
0x1b3: {  	(v2sf) =	vpush v0, $0xC;
	_ =	sdelay $0x2  }
0x1b4: {  	[tilespmem:s21+$0x11710] =	vst v2;
	s23 =	spop (v2sf)  }
0x1b5: {  	v2 =	vld [tilespmem:s23+$0x0];
	_ =	sdelay $0x1  }
0x1b6: {  	(v2sf) =	vpush v1, $0xC;
	_ =	sdelay $0x2  }
0x1b7: {  	[tilespmem:s21+$0x11780] =	vst v2;
	s23 =	spop (v2sf)  }
0x1b8: {  	v2 =	vld [tilespmem:s23+$0x9780];
	_ =	sdelay $0x1  }
0x1b9: {  	(v2sf) =	vpush v0, $0xD;
	_ =	sdelay $0x2  }
0x1ba: {  	[tilespmem:s21+$0x11790] =	vst v2;
	s23 =	spop (v2sf)  }
0x1bb: {  	v2 =	vld [tilespmem:s23+$0x0];
	_ =	sdelay $0x1  }
0x1bc: {  	(v2sf) =	vpush v1, $0xD;
	_ =	sdelay $0x2  }
0x1bd: {  	[tilespmem:s21+$0x11800] =	vst v2;
	s23 =	spop (v2sf)  }
0x1be: {  	v2 =	vld [tilespmem:s23+$0x9800];
	_ =	sdelay $0x1  }
0x1bf: {  	(v2sf) =	vpush v0, $0xE;
	_ =	sdelay $0x2  }
0x1c0: {  	[tilespmem:s21+$0x11810] =	vst v2;
	s23 =	spop (v2sf)  }
0x1c1: {  	v2 =	vld [tilespmem:s23+$0x0];
	_ =	sdelay $0x1  }
0x1c2: {  	(v2sf) =	vpush v1, $0xE;
	_ =	sdelay $0x2  }
0x1c3: {  	[tilespmem:s21+$0x11880] =	vst v2;
	s23 =	spop (v2sf)  }
0x1c4: {  	v2 =	vld [tilespmem:s23+$0x9880];
	_ =	sdelay $0x1  }
0x1c5: {  	(v2sf) =	vpush v0, $0xF;
	_ =	sdelay $0x2  }
0x1c6: {  	[tilespmem:s21+$0x11890] =	vst v2;
	s23 =	spop (v2sf)  }
0x1c7: {  	v0 =	vld [tilespmem:s23+$0x0];
	_ =	sdelay $0x1  }
0x1c8: {  	(v2sf) =	vpush v1, $0xF;
	_ =	sdelay $0x2  }
0x1c9: {  	[tilespmem:s21+$0x11900] =	vst v0;
	s23 =	spop (v2sf)  }
0x1ca: {  	v0 =	vld [tilespmem:s23+$0x9900];
	_ =	sdelay $0x4  }
0x1cb: {  	[tilespmem:s21+$0x11910] =	vst v0;
	s23 =	spop (v2sf)  }
0x1cc: {  	v0 =	vld [tilespmem:s23+$0x0];
	_ =	sdelay $0x1  }
.Ltmp2:
0x1cd: {  	(pc) =	sbr.rel @p0 .LBB2_6-.Ltmp2, $3  }
0x1ce: {  	_ =	sdelay $0x1  }
0x1cf: {  	[tilespmem:s21+$0x11980] =	vst v0;
	s23 =	spop (v2sf)  }
0x1d0: {  	v0 =	vld [tilespmem:s23+$0x9980]  }
0x1d1: {  	_ =	sdelay $0x1  }
0x1d2: {  	s18 =	sadd.s32 $0x1, s18  }
0x1d3: {  	p0 =	sne.s32 s18, s9  }
.Ltmp3:
0x1d4: {  	[tilespmem:s21+$0x11990] =	vst v0;
	(pc) =	sbr.rel @p0 .LBB2_1-.Ltmp3, $4  }
0x1d5: {  	[hbm4b:s8+s4] =	stream.linear.scatter [tilespmem:s17], [sflag:$0x2], $0x8000, $0x38;
	[tilespmem:$0x19200] =	vst v63  }
0x1d6: {  	_ =	swait.ge [sflag:s11], $0x8000  }
0x1d7: {  	[sflag:s11] =	ssyncset.done $0x0  }
0x1d8: {  	[sflag:s11] =	ssyncadd.s32 $0xFFFF8000  }
0x1d9: {  	_ =	sfence.sel $0x180000  }
0x1da: {  	[bflag:$0x0] =	sbarrier.arrive $0xFFFF  }
0x1db: {  	p0 =	sne.s32 s2, $0x0;
	_ =	strace $0x90000047  }
0x1dc: {  	s0 =	sadd.s32 @!p0 $0x100000, s0;
	[bflag:$0x2] =	sbarrier.arrive $0xFFFF  }
0x1dd: {  	[sflag:s0] =	ssyncadd.tile.s32 @!p0 $0x1;
	_ =	shalt  }
.Lfunc_end2:
_tile_overlayer_lowered:
.L_overlay_start_2:
0x1de: {  	(tag) =	ssettag $0x2  }
0x1df: {  	s0 =	rddreg [dreg:$0x0];
	s2 =	stileid.u32  }
0x1e0: {  	s1 =	rddreg [dreg:$0x1];
	p0 =	sne.s32 s2, $0x0  }
0x1e1: {  	s3 =	rddreg [dreg:$0x2];
	[bflag:$0x3] =	sbarrier.arrive $0xFFFF;
	s2 =	simm.s32 @!p0 $0x1C02  }
0x1e2: {  	[timem:s3], [sflag:s2] =	dma.local @!p0 [hbm:s0], s1  }
0x1e3: {  	s0 =	simm.s32 @!p0 $0x2  }
0x1e4: {  	_ =	swait.ge @!p0 [sflag:s0], s1  }
0x1e5: {  	s1 =	ssub.s32 @!p0 $0x0, s1;
	[sflag:s0] =	ssyncset.done @!p0 $0x0  }
0x1e6: {  	[sflag:s0] =	ssyncadd.s32 @!p0 s1  }
0x1e7: {  	[bflag:$0x3] =	sbarrier.arrive $0xFFFF  }
0x1e8: {  	_ =	shalt  }

</sc_bundles>
